<compile_context>
chip_gen: v7x
topology: tpu7x:2x2x1
jax: 0.10.2.dev20260603
libtpu: 0.0.44.dev20260713+nightly
codegen_flags: <defaults>
</compile_context>

<pallas_src>
import functools

import jax
import jax.numpy as jnp
from jax import lax
from jax.experimental import pallas as pl
from jax.experimental.pallas import tpu as pltpu
from jax.experimental.pallas import tpu_sc as plsc

_NC = 2
_NS = 16
_CC = 128


def _dense_two(x, w_rel, b_rel, w_res, b_res):
    n, d = x.shape
    br = 2000 if n % 2000 == 0 else n
    grid = n // br

    def body(x_ref, wr_ref, br_ref, ws_ref, bs_ref, h_ref, r_ref):
        xv = x_ref[...]
        h_ref[...] = jnp.dot(xv, wr_ref[...], preferred_element_type=jnp.float32) + br_ref[...]
        r_ref[...] = jnp.maximum(
            jnp.dot(xv, ws_ref[...], preferred_element_type=jnp.float32) + bs_ref[...], 0.0)

    return pl.pallas_call(
        body,
        grid=(grid,),
        in_specs=[
            pl.BlockSpec((br, d), lambda i: (i, 0)),
            pl.BlockSpec((d, d), lambda i: (0, 0)),
            pl.BlockSpec((1, d), lambda i: (0, 0)),
            pl.BlockSpec((d, d), lambda i: (0, 0)),
            pl.BlockSpec((1, d), lambda i: (0, 0)),
        ],
        out_specs=[pl.BlockSpec((br, d), lambda i: (i, 0)),
                   pl.BlockSpec((br, d), lambda i: (i, 0))],
        out_shape=[jax.ShapeDtypeStruct((n, d), jnp.float32),
                   jax.ShapeDtypeStruct((n, d), jnp.float32)],
    )(x, w_rel, b_rel.reshape(1, d), w_res, b_res.reshape(1, d))



def _dense_one(x, w, b, relu):
    n, d = x.shape
    br = 2000 if n % 2000 == 0 else n
    grid = n // br

    def body(x_ref, w_ref, b_ref, y_ref):
        y = jnp.dot(x_ref[...], w_ref[...], preferred_element_type=jnp.float32) + b_ref[...]
        y_ref[...] = jnp.maximum(y, 0.0) if relu else y

    return pl.pallas_call(
        body,
        grid=(grid,),
        in_specs=[
            pl.BlockSpec((br, d), lambda i: (i, 0)),
            pl.BlockSpec((d, d), lambda i: (0, 0)),
            pl.BlockSpec((1, d), lambda i: (0, 0)),
        ],
        out_specs=pl.BlockSpec((br, d), lambda i: (i, 0)),
        out_shape=jax.ShapeDtypeStruct((n, d), jnp.float32),
    )(x, w, b.reshape(1, d))


def _norm_dense_one(new, st, gamma, beta, w, b, relu):
    n, d = new.shape
    br = 2000 if n % 2000 == 0 else n
    grid = n // br

    def body(new_ref, st_ref, g_ref, bt_ref, w_ref, b_ref, y_ref):
        scale, shift = _bn_scale(st_ref, g_ref, bt_ref, n)
        xn = new_ref[...] * scale + shift
        y = jnp.dot(xn, w_ref[...], preferred_element_type=jnp.float32) + b_ref[...]
        y_ref[...] = jnp.maximum(y, 0.0) if relu else y

    return pl.pallas_call(
        body,
        grid=(grid,),
        in_specs=[
            pl.BlockSpec((br, d), lambda i: (i, 0)),
            pl.BlockSpec((2, d), lambda i: (0, 0)),
            pl.BlockSpec((1, d), lambda i: (0, 0)),
            pl.BlockSpec((1, d), lambda i: (0, 0)),
            pl.BlockSpec((d, d), lambda i: (0, 0)),
            pl.BlockSpec((1, d), lambda i: (0, 0)),
        ],
        out_specs=pl.BlockSpec((br, d), lambda i: (i, 0)),
        out_shape=jax.ShapeDtypeStruct((n, d), jnp.float32),
    )(new, st, gamma.reshape(1, d), beta.reshape(1, d), w, b.reshape(1, d))


def _sc_scatter(h, src_p, dst_p, ept):
    n, d = h.shape
    n_pad = -(-(n + 1) // (_NS * 8)) * (_NS * 8)
    zpt = n_pad // _NS
    nchunks = ept // _CC
    mesh = plsc.VectorSubcoreMesh(core_axis_name="c", subcore_axis_name="s",
                                  num_cores=_NC, num_subcores=_NS)

    @functools.partial(
        pl.kernel,
        out_type=jax.ShapeDtypeStruct((_NC, n_pad, d), jnp.float32),
        mesh=mesh,
        scratch_types=[
            pltpu.VMEM((ept,), jnp.int32),
            pltpu.VMEM((_CC,), jnp.int32),
            pltpu.VMEM((_CC, d), jnp.float32),
            pltpu.VMEM_SHARED((n_pad, d), jnp.float32),
            pltpu.SemaphoreType.DMA,
        ],
    )
    def k(h_hbm, src_hbm, dst_hbm, out_hbm, src_v, dst_v, rows_v, agg_sh, sem):
        c = lax.axis_index("c")
        s = lax.axis_index("s")
        wid = c * _NS + s

        nlanes = d // 16

        def zb(i, _):
            rows_v[i // nlanes, pl.ds((i % nlanes) * 16, 16)] = jnp.zeros((16,), jnp.float32)
            return _

        lax.fori_loop(0, _CC * nlanes, zb, 0)

        zbase = s * zpt
        nfull, rem = zpt // _CC, zpt % _CC
        for j in range(nfull):
            pltpu.sync_copy(rows_v, agg_sh.at[pl.ds(zbase + j * _CC, _CC)])
        if rem:
            pltpu.sync_copy(rows_v.at[pl.ds(0, rem)], agg_sh.at[pl.ds(zbase + nfull * _CC, rem)])
        plsc.subcore_barrier()

        ebase = wid * ept
        pltpu.sync_copy(src_hbm.at[pl.ds(ebase, ept)], src_v)

        def eb(i, _):
            pltpu.sync_copy(dst_hbm.at[pl.ds(ebase + i * _CC, _CC)], dst_v)
            pltpu.async_copy(h_hbm.at[src_v.at[pl.ds(i * _CC, _CC)]], rows_v, sem).wait()
            pltpu.sync_copy(rows_v, agg_sh.at[dst_v], add=True)
            return _

        lax.fori_loop(0, nchunks, eb, 0)
        plsc.subcore_barrier()

        pltpu.sync_copy(agg_sh.at[pl.ds(zbase, zpt)], out_hbm.at[c, pl.ds(zbase, zpt)])

    return k(h, src_p, dst_p)


def _stats(agg, res):
    n, d = res.shape
    br = 2000 if n % 2000 == 0 else n
    grid = n // br

    def body(a0_ref, a1_ref, r_ref, new_ref, st_ref):
        i = pl.program_id(0)
        new = jnp.maximum(a0_ref[0] + a1_ref[0], 0.0) + r_ref[...]
        new_ref[...] = new
        ps = jnp.concatenate(
            [jnp.sum(new, axis=0, keepdims=True),
             jnp.sum(new * new, axis=0, keepdims=True)], axis=0)

        @pl.when(i == 0)
        def _():
            st_ref[...] = ps

        @pl.when(i > 0)
        def _():
            st_ref[...] += ps

    return pl.pallas_call(
        body,
        grid=(grid,),
        in_specs=[
            pl.BlockSpec((1, br, d), lambda i: (0, i, 0)),
            pl.BlockSpec((1, br, d), lambda i: (1, i, 0)),
            pl.BlockSpec((br, d), lambda i: (i, 0)),
        ],
        out_specs=[pl.BlockSpec((br, d), lambda i: (i, 0)),
                   pl.BlockSpec((2, d), lambda i: (0, 0))],
        out_shape=[jax.ShapeDtypeStruct((n, d), jnp.float32),
                   jax.ShapeDtypeStruct((2, d), jnp.float32)],
    )(agg, agg, res)


def _bn_scale(st_ref, gamma_ref, beta_ref, n):
    ssum = st_ref[0:1, :]
    ssq = st_ref[1:2, :]
    mean = ssum * (1.0 / n)
    var = ssq * (1.0 / n) - mean * mean
    scale = gamma_ref[...] * lax.rsqrt(var + 1e-5)
    shift = beta_ref[...] - mean * scale
    return scale, shift


def _norm_dense(new, st, gamma, beta, w_rel, b_rel, w_res, b_res):
    n, d = new.shape
    br = 2000 if n % 2000 == 0 else n
    grid = n // br

    def body(new_ref, st_ref, g_ref, bt_ref, wr_ref, br_ref, ws_ref, bs_ref, h_ref, r_ref):
        scale, shift = _bn_scale(st_ref, g_ref, bt_ref, n)
        xn = new_ref[...] * scale + shift
        h_ref[...] = jnp.dot(xn, wr_ref[...], preferred_element_type=jnp.float32) + br_ref[...]
        r_ref[...] = jnp.maximum(
            jnp.dot(xn, ws_ref[...], preferred_element_type=jnp.float32) + bs_ref[...], 0.0)

    return pl.pallas_call(
        body,
        grid=(grid,),
        in_specs=[
            pl.BlockSpec((br, d), lambda i: (i, 0)),
            pl.BlockSpec((2, d), lambda i: (0, 0)),
            pl.BlockSpec((1, d), lambda i: (0, 0)),
            pl.BlockSpec((1, d), lambda i: (0, 0)),
            pl.BlockSpec((d, d), lambda i: (0, 0)),
            pl.BlockSpec((1, d), lambda i: (0, 0)),
            pl.BlockSpec((d, d), lambda i: (0, 0)),
            pl.BlockSpec((1, d), lambda i: (0, 0)),
        ],
        out_specs=[pl.BlockSpec((br, d), lambda i: (i, 0)),
                   pl.BlockSpec((br, d), lambda i: (i, 0))],
        out_shape=[jax.ShapeDtypeStruct((n, d), jnp.float32),
                   jax.ShapeDtypeStruct((n, d), jnp.float32)],
    )(new, st, gamma.reshape(1, d), beta.reshape(1, d),
      w_rel, b_rel.reshape(1, d), w_res, b_res.reshape(1, d))


def _norm(new, st, gamma, beta):
    n, d = new.shape
    br = 2000 if n % 2000 == 0 else n
    grid = n // br

    def body(new_ref, st_ref, g_ref, bt_ref, o_ref):
        scale, shift = _bn_scale(st_ref, g_ref, bt_ref, n)
        o_ref[...] = new_ref[...] * scale + shift

    return pl.pallas_call(
        body,
        grid=(grid,),
        in_specs=[
            pl.BlockSpec((br, d), lambda i: (i, 0)),
            pl.BlockSpec((2, d), lambda i: (0, 0)),
            pl.BlockSpec((1, d), lambda i: (0, 0)),
            pl.BlockSpec((1, d), lambda i: (0, 0)),
        ],
        out_specs=pl.BlockSpec((br, d), lambda i: (i, 0)),
        out_shape=jax.ShapeDtypeStruct((n, d), jnp.float32),
    )(new, st, gamma.reshape(1, d), beta.reshape(1, d))


def kernel(feats, edge_index, W1_rel, b1_rel, W1_res, b1_res, gamma1, beta1,
           W2_rel, b2_rel, W2_res, b2_res, gamma2, beta2):
    n, d = feats.shape
    e = edge_index.shape[1]
    nt = _NC * _NS
    ept = -(-e // (nt * _CC)) * _CC
    e_pad = nt * ept
    src = edge_index[0].astype(jnp.int32)
    dst = edge_index[1].astype(jnp.int32)
    if e_pad > e:
        src = jnp.concatenate([src, jnp.zeros((e_pad - e,), jnp.int32)])
        dst = jnp.concatenate([dst, jnp.full((e_pad - e,), n, jnp.int32)])

    h1 = _dense_one(feats, W1_rel, b1_rel, relu=False)
    agg1 = _sc_scatter(h1, src, dst, ept)
    res1 = _dense_one(feats, W1_res, b1_res, relu=True)
    new1, st1 = _stats(agg1, res1)
    h2 = _norm_dense_one(new1, st1, gamma1, beta1, W2_rel, b2_rel, relu=False)
    agg2 = _sc_scatter(h2, src, dst, ept)
    res2 = _norm_dense_one(new1, st1, gamma1, beta1, W2_res, b2_res, relu=True)
    new2, st2 = _stats(agg2, res2)
    return _norm(new2, st2, gamma2, beta2)

# --- scband reference (transcript-rebuilt; emitter-appended) ---
"""Pipeline reference for scband-gcn-66374424592813 (READ-ONLY COPY).

The authoritative reference and input builder live on the scoring server;
editing this copy changes nothing except your own understanding.
"""

import jax, jax.numpy as jnp
import numpy as np

N = 10000
E = 320000
D = 128
H = [128, 128]


def _glorot(key, shape):
    fan_in, fan_out = shape[0], shape[1]
    limit = np.sqrt(6.0 / (fan_in + fan_out))
    return jax.random.uniform(key, shape, dtype=jnp.float32, minval=-limit, maxval=limit)


def setup_inputs(seed: int = 0) -> dict:
    key = jax.random.key(seed)
    ks = jax.random.split(key, 16)
    feats = jax.random.normal(ks[0], (N, D), dtype=jnp.float32)
    edge_index = jax.random.randint(ks[1], (2, E), 0, N, dtype=jnp.int64)
    inp = {"feats": feats, "edge_index": edge_index}
    d_in = D
    ki = 2
    for li, d_out in enumerate(H, start=1):
        inp[f"W{li}_rel"] = _glorot(ks[ki], (d_in, d_out)); ki += 1
        inp[f"b{li}_rel"] = jnp.zeros((d_out,), dtype=jnp.float32)
        inp[f"W{li}_res"] = _glorot(ks[ki], (d_in, d_out)); ki += 1
        inp[f"b{li}_res"] = jnp.zeros((d_out,), dtype=jnp.float32)
        inp[f"gamma{li}"] = jnp.ones((d_out,), dtype=jnp.float32)
        inp[f"beta{li}"] = jnp.zeros((d_out,), dtype=jnp.float32)
        d_in = d_out
    return inp


def _gcn_layer(x, edge_index, W_rel, b_rel, W_res, b_res, gamma, beta):
    # GraphConv: linear then propagate with aggr='add' (message = x_j from src, scatter-add to dst)
    h = x @ W_rel + b_rel
    src, dst = edge_index[0], edge_index[1]
    msg = jnp.take(h, src, axis=0)
    agg = jax.ops.segment_sum(msg, dst, num_segments=x.shape[0])
    new = jax.nn.relu(agg)
    # dropout p=0.0 -> identity
    res = jax.nn.relu(x @ W_res + b_res)
    new = new + res
    # BatchNorm1d in training mode (batch statistics, biased variance, eps=1e-5)
    mean = jnp.mean(new, axis=0)
    var = jnp.var(new, axis=0)
    new = (new - mean) / jnp.sqrt(var + 1e-5) * gamma + beta
    return new


def reference(feats, edge_index, W1_rel, b1_rel, W1_res, b1_res, gamma1, beta1, W2_rel, b2_rel, W2_res, b2_res, gamma2, beta2):
    x = _gcn_layer(feats, edge_index, W1_rel, b1_rel, W1_res, b1_res, gamma1, beta1)
    x = _gcn_layer(x, edge_index, W2_rel, b2_rel, W2_res, b2_res, gamma2, beta2)
    return x

if __name__ == "__main__":
    import jax
    _d = setup_inputs()
    print(jax.jit(kernel)(*tuple(_d.values())))

</pallas_src>

<mosaic_0001>
#map = affine_map<(d0, d1) -> (0, 0)>
#map1 = affine_map<(d0, d1) -> (0)>
#map2 = affine_map<(d0, d1) -> (0, 0, 0)>
module attributes {stable_mosaic.version = 14 : i64} {
  func.func @k(%arg0: i32, %arg1: i32, %arg2: memref<10000x128xf32, #tpu.memory_space<hbm>>, %arg3: memref<323584xi32, #tpu.memory_space<hbm>>, %arg4: memref<323584xi32, #tpu.memory_space<hbm>>, %arg5: memref<2x10112x128xf32, #tpu.memory_space<hbm>>, %arg6: memref<10112xi32, #tpu.memory_space<vmem>>, %arg7: memref<128xi32, #tpu.memory_space<vmem>>, %arg8: memref<128x128xf32, #tpu.memory_space<vmem>>, %arg9: memref<10112x128xf32, #tpu.memory_space<vmem_shared>>, %arg10: memref<!tpu.dma_semaphore, #tpu.memory_space<semaphore_mem>>) attributes {dimension_semantics = [#tpu.dimension_semantics<core_parallel>, #tpu.dimension_semantics<subcore_parallel>], iteration_bounds = array<i64: 2, 16>, scalar_prefetch = 0 : i64, scratch_operands = 5 : i64, tpu.core_type = #tpu.core_type<sc_vector_subcore>, window_params = [{transform_indices = #map}, {transform_indices = #map1}, {transform_indices = #map1}, {transform_indices = #map2}]} {
    %mul3A = arith.constant 16 : i32
    %mul3A_0 = arith.muli %arg0, %mul3A : i32
    %add3A = arith.addi %mul3A_0, %arg1 : i32
    %scan3A = arith.constant 0 : i32
    %scan3A_1 = arith.constant 0 : i32
    %scan3A_2 = arith.constant 1024 : i32
    %scan3A_3 = arith.addi %scan3A_1, %scan3A_2 : i32
    %scan3A_4 = arith.constant 1 : i32
    scf.for %scan3A_27 = %scan3A_1 to %scan3A_3 step %scan3A_4  : i32 {
      %broadcast_in_dim3A = arith.constant 0.000000e+00 : f32
      %broadcast_in_dim3A_28 = vector.broadcast %broadcast_in_dim3A : f32 to vector<16xf32>
      %jit3A = arith.constant 8 : i32
      %div3A = arith.divsi %scan3A_27, %jit3A : i32
      %sign3A = arith.constant 0 : i32
      %sign3A_29 = arith.cmpi sgt, %scan3A_27, %sign3A : i32
      %sign3A_30 = arith.extui %sign3A_29 : i1 to i32
      %sign3A_31 = arith.constant 0 : i32
      %sign3A_32 = arith.cmpi slt, %scan3A_27, %sign3A_31 : i32
      %sign3A_33 = arith.extui %sign3A_32 : i1 to i32
      %sign3A_34 = arith.subi %sign3A_30, %sign3A_33 : i32
      %sign3A_35 = arith.constant 0 : i32
      %sign3A_36 = arith.cmpi sgt, %jit3A, %sign3A_35 : i32
      %sign3A_37 = arith.extui %sign3A_36 : i1 to i32
      %sign3A_38 = arith.constant 0 : i32
      %sign3A_39 = arith.cmpi slt, %jit3A, %sign3A_38 : i32
      %sign3A_40 = arith.extui %sign3A_39 : i1 to i32
      %sign3A_41 = arith.subi %sign3A_37, %sign3A_40 : i32
      %ne3A = arith.cmpi ne, %sign3A_34, %sign3A_41 : i32
      %rem3A = arith.remsi %scan3A_27, %jit3A : i32
      %ne3A_42 = arith.constant 0 : i32
      %ne3A_43 = arith.cmpi ne, %rem3A, %ne3A_42 : i32
      %and3A = arith.andi %ne3A, %ne3A_43 : i1
      %sub3A = arith.constant 1 : i32
      %sub3A_44 = arith.subi %div3A, %sub3A : i32
      %select_n3A = arith.select %and3A, %sub3A_44, %div3A : i32
      %jit3A_45 = arith.constant 8 : i32
      %eq3A = arith.constant 0 : i32
      %eq3A_46 = arith.cmpi eq, %jit3A_45, %eq3A : i32
      %jit3A_47 = arith.constant 1 : i32
      %select_n3A_48 = arith.select %eq3A_46, %jit3A_47, %jit3A_45 : i32
      %rem3A_49 = arith.remsi %scan3A_27, %select_n3A_48 : i32
      %ne3A_50 = arith.constant 0 : i32
      %ne3A_51 = arith.cmpi ne, %rem3A_49, %ne3A_50 : i32
      %lt3A = arith.constant 0 : i32
      %lt3A_52 = arith.cmpi slt, %rem3A_49, %lt3A : i32
      %lt3A_53 = arith.constant 0 : i32
      %lt3A_54 = arith.cmpi slt, %select_n3A_48, %lt3A_53 : i32
      %ne3A_55 = arith.xori %lt3A_52, %lt3A_54 : i1
      %and3A_56 = arith.andi %ne3A_55, %ne3A_51 : i1
      %add3A_57 = arith.addi %rem3A_49, %select_n3A_48 : i32
      %select_n3A_58 = arith.select %and3A_56, %add3A_57, %rem3A_49 : i32
      %mul3A_59 = arith.constant 16 : i32
      %mul3A_60 = arith.muli %select_n3A_58, %mul3A_59 : i32
      %swap3A = arith.index_cast %select_n3A : i32 to index
      %swap3A_61 = arith.index_cast %mul3A_60 : i32 to index
      %swap3A_62 = tpu.vector_load %arg8[%swap3A, %swap3A_61] {strides = array<i32>} : memref<128x128xf32, #tpu.memory_space<vmem>>, vector<1x16xf32>,
      %swap3A_63 = vector.shape_cast %swap3A_62 : vector<1x16xf32> to vector<16xf32>
      %swap3A_64 = vector.shape_cast %broadcast_in_dim3A_28 : vector<16xf32> to vector<1x16xf32>
      tpu.vector_store %arg8[%swap3A, %swap3A_61], %swap3A_64 {strides = array<i32>} : memref<128x128xf32, #tpu.memory_space<vmem>>, vector<1x16xf32>,
    }
    %scan3A_5 = arith.constant 1024 : i32
    %mul3A_6 = arith.constant 632 : i32
    %mul3A_7 = arith.muli %arg1, %mul3A_6 : i32
    %add3A_8 = arith.constant 0 : i32
    %add3A_9 = arith.addi %mul3A_7, %add3A_8 : i32
    "tpu.region"() ({
      %run_scoped3A = tpu.sem_alloc : memref<!tpu.dma_semaphore, #tpu.memory_space<semaphore_mem>>
      %dma_start3A = arith.constant 0 : i32
      %dma_start3A_27 = tpu.memref_slice %arg9[%add3A_9, %dma_start3A] : memref<10112x128xf32, #tpu.memory_space<vmem_shared>> -> memref<128x128xf32, #tpu.memory_space<vmem_shared>>
      %dma_start3A_28 = arith.constant 0 : i32
      %dma_start3A_29 = tpu.memref_slice %arg9[%add3A_9, %dma_start3A_28] : memref<10112x128xf32, #tpu.memory_space<vmem_shared>> -> memref<128x128xf32, #tpu.memory_space<vmem_shared>>
      tpu.enqueue_dma source(%arg8 : memref<128x128xf32, #tpu.memory_space<vmem>>) target(%dma_start3A_29 : memref<128x128xf32, #tpu.memory_space<vmem_shared>>) target_semaphore(%run_scoped3A : memref<!tpu.dma_semaphore, #tpu.memory_space<semaphore_mem>>)
      %dma_wait3A = arith.constant 0 : i32
      %dma_wait3A_30 = tpu.memref_slice %arg9[%add3A_9, %dma_wait3A] : memref<10112x128xf32, #tpu.memory_space<vmem_shared>> -> memref<128x128xf32, #tpu.memory_space<vmem_shared>>
      %dma_wait3A_31 = arith.constant 0 : i32
      %dma_wait3A_32 = tpu.memref_slice %arg9[%add3A_9, %dma_wait3A_31] : memref<10112x128xf32, #tpu.memory_space<vmem_shared>> -> memref<128x128xf32, #tpu.memory_space<vmem_shared>>
      tpu.wait_dma2 semaphore(%run_scoped3A : memref<!tpu.dma_semaphore, #tpu.memory_space<semaphore_mem>>) src(%arg8 : memref<128x128xf32, #tpu.memory_space<vmem>>) dst(%dma_wait3A_32 : memref<128x128xf32, #tpu.memory_space<vmem_shared>>)
      tpu.yield
    }) : () -> ()
    %add3A_10 = arith.constant 128 : i32
    %add3A_11 = arith.addi %mul3A_7, %add3A_10 : i32
    "tpu.region"() ({
      %run_scoped3A = tpu.sem_alloc : memref<!tpu.dma_semaphore, #tpu.memory_space<semaphore_mem>>
      %dma_start3A = arith.constant 0 : i32
      %dma_start3A_27 = tpu.memref_slice %arg9[%add3A_11, %dma_start3A] : memref<10112x128xf32, #tpu.memory_space<vmem_shared>> -> memref<128x128xf32, #tpu.memory_space<vmem_shared>>
      %dma_start3A_28 = arith.constant 0 : i32
      %dma_start3A_29 = tpu.memref_slice %arg9[%add3A_11, %dma_start3A_28] : memref<10112x128xf32, #tpu.memory_space<vmem_shared>> -> memref<128x128xf32, #tpu.memory_space<vmem_shared>>
      tpu.enqueue_dma source(%arg8 : memref<128x128xf32, #tpu.memory_space<vmem>>) target(%dma_start3A_29 : memref<128x128xf32, #tpu.memory_space<vmem_shared>>) target_semaphore(%run_scoped3A : memref<!tpu.dma_semaphore, #tpu.memory_space<semaphore_mem>>)
      %dma_wait3A = arith.constant 0 : i32
      %dma_wait3A_30 = tpu.memref_slice %arg9[%add3A_11, %dma_wait3A] : memref<10112x128xf32, #tpu.memory_space<vmem_shared>> -> memref<128x128xf32, #tpu.memory_space<vmem_shared>>
      %dma_wait3A_31 = arith.constant 0 : i32
      %dma_wait3A_32 = tpu.memref_slice %arg9[%add3A_11, %dma_wait3A_31] : memref<10112x128xf32, #tpu.memory_space<vmem_shared>> -> memref<128x128xf32, #tpu.memory_space<vmem_shared>>
      tpu.wait_dma2 semaphore(%run_scoped3A : memref<!tpu.dma_semaphore, #tpu.memory_space<semaphore_mem>>) src(%arg8 : memref<128x128xf32, #tpu.memory_space<vmem>>) dst(%dma_wait3A_32 : memref<128x128xf32, #tpu.memory_space<vmem_shared>>)
      tpu.yield
    }) : () -> ()
    %add3A_12 = arith.constant 256 : i32
    %add3A_13 = arith.addi %mul3A_7, %add3A_12 : i32
    "tpu.region"() ({
      %run_scoped3A = tpu.sem_alloc : memref<!tpu.dma_semaphore, #tpu.memory_space<semaphore_mem>>
      %dma_start3A = arith.constant 0 : i32
      %dma_start3A_27 = tpu.memref_slice %arg9[%add3A_13, %dma_start3A] : memref<10112x128xf32, #tpu.memory_space<vmem_shared>> -> memref<128x128xf32, #tpu.memory_space<vmem_shared>>
      %dma_start3A_28 = arith.constant 0 : i32
      %dma_start3A_29 = tpu.memref_slice %arg9[%add3A_13, %dma_start3A_28] : memref<10112x128xf32, #tpu.memory_space<vmem_shared>> -> memref<128x128xf32, #tpu.memory_space<vmem_shared>>
      tpu.enqueue_dma source(%arg8 : memref<128x128xf32, #tpu.memory_space<vmem>>) target(%dma_start3A_29 : memref<128x128xf32, #tpu.memory_space<vmem_shared>>) target_semaphore(%run_scoped3A : memref<!tpu.dma_semaphore, #tpu.memory_space<semaphore_mem>>)
      %dma_wait3A = arith.constant 0 : i32
      %dma_wait3A_30 = tpu.memref_slice %arg9[%add3A_13, %dma_wait3A] : memref<10112x128xf32, #tpu.memory_space<vmem_shared>> -> memref<128x128xf32, #tpu.memory_space<vmem_shared>>
      %dma_wait3A_31 = arith.constant 0 : i32
      %dma_wait3A_32 = tpu.memref_slice %arg9[%add3A_13, %dma_wait3A_31] : memref<10112x128xf32, #tpu.memory_space<vmem_shared>> -> memref<128x128xf32, #tpu.memory_space<vmem_shared>>
      tpu.wait_dma2 semaphore(%run_scoped3A : memref<!tpu.dma_semaphore, #tpu.memory_space<semaphore_mem>>) src(%arg8 : memref<128x128xf32, #tpu.memory_space<vmem>>) dst(%dma_wait3A_32 : memref<128x128xf32, #tpu.memory_space<vmem_shared>>)
      tpu.yield
    }) : () -> ()
    %add3A_14 = arith.constant 384 : i32
    %add3A_15 = arith.addi %mul3A_7, %add3A_14 : i32
    "tpu.region"() ({
      %run_scoped3A = tpu.sem_alloc : memref<!tpu.dma_semaphore, #tpu.memory_space<semaphore_mem>>
      %dma_start3A = arith.constant 0 : i32
      %dma_start3A_27 = tpu.memref_slice %arg9[%add3A_15, %dma_start3A] : memref<10112x128xf32, #tpu.memory_space<vmem_shared>> -> memref<128x128xf32, #tpu.memory_space<vmem_shared>>
      %dma_start3A_28 = arith.constant 0 : i32
      %dma_start3A_29 = tpu.memref_slice %arg9[%add3A_15, %dma_start3A_28] : memref<10112x128xf32, #tpu.memory_space<vmem_shared>> -> memref<128x128xf32, #tpu.memory_space<vmem_shared>>
      tpu.enqueue_dma source(%arg8 : memref<128x128xf32, #tpu.memory_space<vmem>>) target(%dma_start3A_29 : memref<128x128xf32, #tpu.memory_space<vmem_shared>>) target_semaphore(%run_scoped3A : memref<!tpu.dma_semaphore, #tpu.memory_space<semaphore_mem>>)
      %dma_wait3A = arith.constant 0 : i32
      %dma_wait3A_30 = tpu.memref_slice %arg9[%add3A_15, %dma_wait3A] : memref<10112x128xf32, #tpu.memory_space<vmem_shared>> -> memref<128x128xf32, #tpu.memory_space<vmem_shared>>
      %dma_wait3A_31 = arith.constant 0 : i32
      %dma_wait3A_32 = tpu.memref_slice %arg9[%add3A_15, %dma_wait3A_31] : memref<10112x128xf32, #tpu.memory_space<vmem_shared>> -> memref<128x128xf32, #tpu.memory_space<vmem_shared>>
      tpu.wait_dma2 semaphore(%run_scoped3A : memref<!tpu.dma_semaphore, #tpu.memory_space<semaphore_mem>>) src(%arg8 : memref<128x128xf32, #tpu.memory_space<vmem>>) dst(%dma_wait3A_32 : memref<128x128xf32, #tpu.memory_space<vmem_shared>>)
      tpu.yield
    }) : () -> ()
    %add3A_16 = arith.constant 512 : i32
    %add3A_17 = arith.addi %mul3A_7, %add3A_16 : i32
    "tpu.region"() ({
      %run_scoped3A = tpu.sem_alloc : memref<!tpu.dma_semaphore, #tpu.memory_space<semaphore_mem>>
      %dma_start3A = arith.constant 0 : i32
      %dma_start3A_27 = arith.constant 0 : i32
      %dma_start3A_28 = tpu.memref_slice %arg8[%dma_start3A, %dma_start3A_27] : memref<128x128xf32, #tpu.memory_space<vmem>> -> memref<120x128xf32, #tpu.memory_space<vmem>>
      %dma_start3A_29 = arith.constant 0 : i32
      %dma_start3A_30 = tpu.memref_slice %arg9[%add3A_17, %dma_start3A_29] : memref<10112x128xf32, #tpu.memory_space<vmem_shared>> -> memref<120x128xf32, #tpu.memory_space<vmem_shared>>
      %dma_start3A_31 = arith.constant 0 : i32
      %dma_start3A_32 = tpu.memref_slice %arg9[%add3A_17, %dma_start3A_31] : memref<10112x128xf32, #tpu.memory_space<vmem_shared>> -> memref<120x128xf32, #tpu.memory_space<vmem_shared>>
      %dma_start3A_33 = arith.constant 0 : i32
      %dma_start3A_34 = arith.constant 0 : i32
      %dma_start3A_35 = tpu.memref_slice %arg8[%dma_start3A_33, %dma_start3A_34] : memref<128x128xf32, #tpu.memory_space<vmem>> -> memref<120x128xf32, #tpu.memory_space<vmem>>
      tpu.enqueue_dma source(%dma_start3A_35 : memref<120x128xf32, #tpu.memory_space<vmem>>) target(%dma_start3A_32 : memref<120x128xf32, #tpu.memory_space<vmem_shared>>) target_semaphore(%run_scoped3A : memref<!tpu.dma_semaphore, #tpu.memory_space<semaphore_mem>>)
      %dma_wait3A = arith.constant 0 : i32
      %dma_wait3A_36 = arith.constant 0 : i32
      %dma_wait3A_37 = tpu.memref_slice %arg8[%dma_wait3A, %dma_wait3A_36] : memref<128x128xf32, #tpu.memory_space<vmem>> -> memref<120x128xf32, #tpu.memory_space<vmem>>
      %dma_wait3A_38 = arith.constant 0 : i32
      %dma_wait3A_39 = tpu.memref_slice %arg9[%add3A_17, %dma_wait3A_38] : memref<10112x128xf32, #tpu.memory_space<vmem_shared>> -> memref<120x128xf32, #tpu.memory_space<vmem_shared>>
      %dma_wait3A_40 = arith.constant 0 : i32
      %dma_wait3A_41 = tpu.memref_slice %arg9[%add3A_17, %dma_wait3A_40] : memref<10112x128xf32, #tpu.memory_space<vmem_shared>> -> memref<120x128xf32, #tpu.memory_space<vmem_shared>>
      %dma_wait3A_42 = arith.constant 0 : i32
      %dma_wait3A_43 = arith.constant 0 : i32
      %dma_wait3A_44 = tpu.memref_slice %arg8[%dma_wait3A_42, %dma_wait3A_43] : memref<128x128xf32, #tpu.memory_space<vmem>> -> memref<120x128xf32, #tpu.memory_space<vmem>>
      tpu.wait_dma2 semaphore(%run_scoped3A : memref<!tpu.dma_semaphore, #tpu.memory_space<semaphore_mem>>) src(%dma_wait3A_44 : memref<120x128xf32, #tpu.memory_space<vmem>>) dst(%dma_wait3A_41 : memref<120x128xf32, #tpu.memory_space<vmem_shared>>)
      tpu.yield
    }) : () -> ()
    %barrier3A = arith.constant 0 : index
    tpu.barrier barrier_id(%barrier3A)
    %mul3A_18 = arith.constant 10112 : i32
    %mul3A_19 = arith.muli %add3A, %mul3A_18 : i32
    "tpu.region"() ({
      %run_scoped3A = tpu.sem_alloc : memref<!tpu.dma_semaphore, #tpu.memory_space<semaphore_mem>>
      %dma_start3A = tpu.memref_slice %arg3[%mul3A_19] : memref<323584xi32, #tpu.memory_space<hbm>> -> memref<10112xi32, #tpu.memory_space<hbm>>
      %dma_start3A_27 = tpu.memref_slice %arg3[%mul3A_19] : memref<323584xi32, #tpu.memory_space<hbm>> -> memref<10112xi32, #tpu.memory_space<hbm>>
      tpu.enqueue_dma source(%dma_start3A_27 : memref<10112xi32, #tpu.memory_space<hbm>>) target(%arg6 : memref<10112xi32, #tpu.memory_space<vmem>>) target_semaphore(%run_scoped3A : memref<!tpu.dma_semaphore, #tpu.memory_space<semaphore_mem>>)
      %dma_wait3A = tpu.memref_slice %arg3[%mul3A_19] : memref<323584xi32, #tpu.memory_space<hbm>> -> memref<10112xi32, #tpu.memory_space<hbm>>
      %dma_wait3A_28 = tpu.memref_slice %arg3[%mul3A_19] : memref<323584xi32, #tpu.memory_space<hbm>> -> memref<10112xi32, #tpu.memory_space<hbm>>
      tpu.wait_dma2 semaphore(%run_scoped3A : memref<!tpu.dma_semaphore, #tpu.memory_space<semaphore_mem>>) src(%dma_wait3A_28 : memref<10112xi32, #tpu.memory_space<hbm>>) dst(%arg6 : memref<10112xi32, #tpu.memory_space<vmem>>)
      tpu.yield
    }) : () -> ()
    %scan3A_20 = arith.constant 0 : i32
    %scan3A_21 = arith.constant 0 : i32
    %scan3A_22 = arith.constant 79 : i32
    %scan3A_23 = arith.addi %scan3A_21, %scan3A_22 : i32
    %scan3A_24 = arith.constant 1 : i32
    scf.for %scan3A_27 = %scan3A_21 to %scan3A_23 step %scan3A_24  : i32 {
      %mul3A_28 = arith.constant 128 : i32
      %mul3A_29 = arith.muli %scan3A_27, %mul3A_28 : i32
      %add3A_30 = arith.addi %mul3A_19, %mul3A_29 : i32
      "tpu.region"() ({
        %run_scoped3A = tpu.sem_alloc : memref<!tpu.dma_semaphore, #tpu.memory_space<semaphore_mem>>
        %dma_start3A_39 = tpu.memref_slice %arg4[%add3A_30] : memref<323584xi32, #tpu.memory_space<hbm>> -> memref<128xi32, #tpu.memory_space<hbm>>
        %dma_start3A_40 = tpu.memref_slice %arg4[%add3A_30] : memref<323584xi32, #tpu.memory_space<hbm>> -> memref<128xi32, #tpu.memory_space<hbm>>
        tpu.enqueue_dma source(%dma_start3A_40 : memref<128xi32, #tpu.memory_space<hbm>>) target(%arg7 : memref<128xi32, #tpu.memory_space<vmem>>) target_semaphore(%run_scoped3A : memref<!tpu.dma_semaphore, #tpu.memory_space<semaphore_mem>>)
        %dma_wait3A_41 = tpu.memref_slice %arg4[%add3A_30] : memref<323584xi32, #tpu.memory_space<hbm>> -> memref<128xi32, #tpu.memory_space<hbm>>
        %dma_wait3A_42 = tpu.memref_slice %arg4[%add3A_30] : memref<323584xi32, #tpu.memory_space<hbm>> -> memref<128xi32, #tpu.memory_space<hbm>>
        tpu.wait_dma2 semaphore(%run_scoped3A : memref<!tpu.dma_semaphore, #tpu.memory_space<semaphore_mem>>) src(%dma_wait3A_42 : memref<128xi32, #tpu.memory_space<hbm>>) dst(%arg7 : memref<128xi32, #tpu.memory_space<vmem>>)
        tpu.yield
      }) : () -> ()
      %mul3A_31 = arith.constant 128 : i32
      %mul3A_32 = arith.muli %scan3A_27, %mul3A_31 : i32
      %dma_start3A = tpu.memref_slice %arg6[%mul3A_32] : memref<10112xi32, #tpu.memory_space<vmem>> -> memref<128xi32, #tpu.memory_space<vmem>>
      %dma_start3A_33 = arith.constant 0 : i32
      %dma_start3A_34 = arith.constant 0 : i32
      %dma_start3A_35 = tpu.memref_slice %arg2[%dma_start3A_33, %dma_start3A_34] : memref<10000x128xf32, #tpu.memory_space<hbm>> -> memref<10000x128xf32, #tpu.memory_space<hbm>>
      tpu.enqueue_indirect_dma source(%dma_start3A_35 : memref<10000x128xf32, #tpu.memory_space<hbm>>) target(%arg8 : memref<128x128xf32, #tpu.memory_space<vmem>>) offsets(%dma_start3A : memref<128xi32, #tpu.memory_space<vmem>>) semaphore(%arg10 : memref<!tpu.dma_semaphore, #tpu.memory_space<semaphore_mem>>)
      %dma_wait3A = tpu.memref_slice %arg6[%mul3A_32] : memref<10112xi32, #tpu.memory_space<vmem>> -> memref<128xi32, #tpu.memory_space<vmem>>
      %dma_wait3A_36 = arith.constant 0 : i32
      %dma_wait3A_37 = arith.constant 0 : i32
      %dma_wait3A_38 = tpu.memref_slice %arg2[%dma_wait3A_36, %dma_wait3A_37] : memref<10000x128xf32, #tpu.memory_space<hbm>> -> memref<10000x128xf32, #tpu.memory_space<hbm>>
      tpu.wait_indirect_dma semaphore(%arg10 : memref<!tpu.dma_semaphore, #tpu.memory_space<semaphore_mem>>) src(%dma_wait3A_38 : memref<10000x128xf32, #tpu.memory_space<hbm>>) dst(%arg8 : memref<128x128xf32, #tpu.memory_space<vmem>>)
      "tpu.region"() ({
        %run_scoped3A = tpu.sem_alloc : memref<!tpu.dma_semaphore, #tpu.memory_space<semaphore_mem>>
        %dma_start3A_39 = arith.constant 0 : i32
        %dma_start3A_40 = arith.constant 0 : i32
        %dma_start3A_41 = tpu.memref_slice %arg9[%dma_start3A_39, %dma_start3A_40] : memref<10112x128xf32, #tpu.memory_space<vmem_shared>> -> memref<10112x128xf32, #tpu.memory_space<vmem_shared>>
        tpu.enqueue_indirect_dma source(%arg8 : memref<128x128xf32, #tpu.memory_space<vmem>>) target(%dma_start3A_41 : memref<10112x128xf32, #tpu.memory_space<vmem_shared>>) offsets(%arg7 : memref<128xi32, #tpu.memory_space<vmem>>) semaphore(%run_scoped3A : memref<!tpu.dma_semaphore, #tpu.memory_space<semaphore_mem>>) {add = true}
        %dma_wait3A_42 = arith.constant 0 : i32
        %dma_wait3A_43 = arith.constant 0 : i32
        %dma_wait3A_44 = tpu.memref_slice %arg9[%dma_wait3A_42, %dma_wait3A_43] : memref<10112x128xf32, #tpu.memory_space<vmem_shared>> -> memref<10112x128xf32, #tpu.memory_space<vmem_shared>>
        tpu.wait_indirect_dma semaphore(%run_scoped3A : memref<!tpu.dma_semaphore, #tpu.memory_space<semaphore_mem>>) src(%arg8 : memref<128x128xf32, #tpu.memory_space<vmem>>) dst(%dma_wait3A_44 : memref<10112x128xf32, #tpu.memory_space<vmem_shared>>)
        tpu.yield
      }) : () -> ()
    }
    %scan3A_25 = arith.constant 79 : i32
    %barrier3A_26 = arith.constant 0 : index
    tpu.barrier barrier_id(%barrier3A_26)
    "tpu.region"() ({
      %run_scoped3A = tpu.sem_alloc : memref<!tpu.dma_semaphore, #tpu.memory_space<semaphore_mem>>
      %dma_start3A = arith.constant 0 : i32
      %dma_start3A_27 = tpu.memref_slice %arg5[%arg0, %mul3A_7, %dma_start3A] : memref<2x10112x128xf32, #tpu.memory_space<hbm>> -> memref<1x632x128xf32, #tpu.memory_space<hbm>>
      %dma_start3A_28 = tpu.memref_squeeze %dma_start3A_27 : memref<1x632x128xf32, #tpu.memory_space<hbm>> -> memref<632x128xf32, #tpu.memory_space<hbm>>
      %dma_start3A_29 = arith.constant 0 : i32
      %dma_start3A_30 = tpu.memref_slice %arg9[%mul3A_7, %dma_start3A_29] : memref<10112x128xf32, #tpu.memory_space<vmem_shared>> -> memref<632x128xf32, #tpu.memory_space<vmem_shared>>
      tpu.enqueue_dma source(%dma_start3A_30 : memref<632x128xf32, #tpu.memory_space<vmem_shared>>) target(%dma_start3A_28 : memref<632x128xf32, #tpu.memory_space<hbm>>) target_semaphore(%run_scoped3A : memref<!tpu.dma_semaphore, #tpu.memory_space<semaphore_mem>>)
      %dma_wait3A = arith.constant 0 : i32
      %dma_wait3A_31 = tpu.memref_slice %arg5[%arg0, %mul3A_7, %dma_wait3A] : memref<2x10112x128xf32, #tpu.memory_space<hbm>> -> memref<1x632x128xf32, #tpu.memory_space<hbm>>
      %dma_wait3A_32 = tpu.memref_squeeze %dma_wait3A_31 : memref<1x632x128xf32, #tpu.memory_space<hbm>> -> memref<632x128xf32, #tpu.memory_space<hbm>>
      %dma_wait3A_33 = arith.constant 0 : i32
      %dma_wait3A_34 = tpu.memref_slice %arg9[%mul3A_7, %dma_wait3A_33] : memref<10112x128xf32, #tpu.memory_space<vmem_shared>> -> memref<632x128xf32, #tpu.memory_space<vmem_shared>>
      tpu.wait_dma2 semaphore(%run_scoped3A : memref<!tpu.dma_semaphore, #tpu.memory_space<semaphore_mem>>) src(%dma_wait3A_34 : memref<632x128xf32, #tpu.memory_space<vmem_shared>>) dst(%dma_wait3A_32 : memref<632x128xf32, #tpu.memory_space<hbm>>)
      tpu.yield
    }) : () -> ()
    return
  }
}

#map = affine_map<(d0, d1) -> (0, 0)>
#map1 = affine_map<(d0, d1) -> (0)>
#map2 = affine_map<(d0, d1) -> (0, 0, 0)>
module attributes {stable_mosaic.version = 14 : i64} {
  func.func @k(%arg0: i32, %arg1: i32, %arg2: memref<10000x128xf32, #tpu.memory_space<hbm>>, %arg3: memref<323584xi32, #tpu.memory_space<hbm>>, %arg4: memref<323584xi32, #tpu.memory_space<hbm>>, %arg5: memref<2x10112x128xf32, #tpu.memory_space<hbm>>, %arg6: memref<10112xi32, #tpu.memory_space<vmem>>, %arg7: memref<128xi32, #tpu.memory_space<vmem>>, %arg8: memref<128x128xf32, #tpu.memory_space<vmem>>, %arg9: memref<10112x128xf32, #tpu.memory_space<vmem_shared>>, %arg10: memref<!tpu.dma_semaphore, #tpu.memory_space<semaphore_mem>>) attributes {dimension_semantics = [#tpu.dimension_semantics<core_parallel>, #tpu.dimension_semantics<subcore_parallel>], iteration_bounds = array<i64: 2, 16>, scalar_prefetch = 0 : i64, scratch_operands = 5 : i64, tpu.core_type = #tpu.core_type<sc_vector_subcore>, window_params = [{transform_indices = #map}, {transform_indices = #map1}, {transform_indices = #map1}, {transform_indices = #map2}]} {
    %mul3A = arith.constant 16 : i32
    %mul3A_0 = arith.muli %arg0, %mul3A : i32
    %add3A = arith.addi %mul3A_0, %arg1 : i32
    %scan3A = arith.constant 0 : i32
    %scan3A_1 = arith.constant 0 : i32
    %scan3A_2 = arith.constant 1024 : i32
    %scan3A_3 = arith.addi %scan3A_1, %scan3A_2 : i32
    %scan3A_4 = arith.constant 1 : i32
    scf.for %scan3A_27 = %scan3A_1 to %scan3A_3 step %scan3A_4  : i32 {
      %broadcast_in_dim3A = arith.constant 0.000000e+00 : f32
      %broadcast_in_dim3A_28 = vector.broadcast %broadcast_in_dim3A : f32 to vector<16xf32>
      %jit3A = arith.constant 8 : i32
      %div3A = arith.divsi %scan3A_27, %jit3A : i32
      %sign3A = arith.constant 0 : i32
      %sign3A_29 = arith.cmpi sgt, %scan3A_27, %sign3A : i32
      %sign3A_30 = arith.extui %sign3A_29 : i1 to i32
      %sign3A_31 = arith.constant 0 : i32
      %sign3A_32 = arith.cmpi slt, %scan3A_27, %sign3A_31 : i32
      %sign3A_33 = arith.extui %sign3A_32 : i1 to i32
      %sign3A_34 = arith.subi %sign3A_30, %sign3A_33 : i32
      %sign3A_35 = arith.constant 0 : i32
      %sign3A_36 = arith.cmpi sgt, %jit3A, %sign3A_35 : i32
      %sign3A_37 = arith.extui %sign3A_36 : i1 to i32
      %sign3A_38 = arith.constant 0 : i32
      %sign3A_39 = arith.cmpi slt, %jit3A, %sign3A_38 : i32
      %sign3A_40 = arith.extui %sign3A_39 : i1 to i32
      %sign3A_41 = arith.subi %sign3A_37, %sign3A_40 : i32
      %ne3A = arith.cmpi ne, %sign3A_34, %sign3A_41 : i32
      %rem3A = arith.remsi %scan3A_27, %jit3A : i32
      %ne3A_42 = arith.constant 0 : i32
      %ne3A_43 = arith.cmpi ne, %rem3A, %ne3A_42 : i32
      %and3A = arith.andi %ne3A, %ne3A_43 : i1
      %sub3A = arith.constant 1 : i32
      %sub3A_44 = arith.subi %div3A, %sub3A : i32
      %select_n3A = arith.select %and3A, %sub3A_44, %div3A : i32
      %jit3A_45 = arith.constant 8 : i32
      %eq3A = arith.constant 0 : i32
      %eq3A_46 = arith.cmpi eq, %jit3A_45, %eq3A : i32
      %jit3A_47 = arith.constant 1 : i32
      %select_n3A_48 = arith.select %eq3A_46, %jit3A_47, %jit3A_45 : i32
      %rem3A_49 = arith.remsi %scan3A_27, %select_n3A_48 : i32
      %ne3A_50 = arith.constant 0 : i32
      %ne3A_51 = arith.cmpi ne, %rem3A_49, %ne3A_50 : i32
      %lt3A = arith.constant 0 : i32
      %lt3A_52 = arith.cmpi slt, %rem3A_49, %lt3A : i32
      %lt3A_53 = arith.constant 0 : i32
      %lt3A_54 = arith.cmpi slt, %select_n3A_48, %lt3A_53 : i32
      %ne3A_55 = arith.xori %lt3A_52, %lt3A_54 : i1
      %and3A_56 = arith.andi %ne3A_55, %ne3A_51 : i1
      %add3A_57 = arith.addi %rem3A_49, %select_n3A_48 : i32
      %select_n3A_58 = arith.select %and3A_56, %add3A_57, %rem3A_49 : i32
      %mul3A_59 = arith.constant 16 : i32
      %mul3A_60 = arith.muli %select_n3A_58, %mul3A_59 : i32
      %swap3A = arith.index_cast %select_n3A : i32 to index
      %swap3A_61 = arith.index_cast %mul3A_60 : i32 to index
      %swap3A_62 = tpu.vector_load %arg8[%swap3A, %swap3A_61] {strides = array<i32>} : memref<128x128xf32, #tpu.memory_space<vmem>>, vector<1x16xf32>,
      %swap3A_63 = vector.shape_cast %swap3A_62 : vector<1x16xf32> to vector<16xf32>
      %swap3A_64 = vector.shape_cast %broadcast_in_dim3A_28 : vector<16xf32> to vector<1x16xf32>
      tpu.vector_store %arg8[%swap3A, %swap3A_61], %swap3A_64 {strides = array<i32>} : memref<128x128xf32, #tpu.memory_space<vmem>>, vector<1x16xf32>,
    }
    %scan3A_5 = arith.constant 1024 : i32
    %mul3A_6 = arith.constant 632 : i32
    %mul3A_7 = arith.muli %arg1, %mul3A_6 : i32
    %add3A_8 = arith.constant 0 : i32
    %add3A_9 = arith.addi %mul3A_7, %add3A_8 : i32
    "tpu.region"() ({
      %run_scoped3A = tpu.sem_alloc : memref<!tpu.dma_semaphore, #tpu.memory_space<semaphore_mem>>
      %dma_start3A = arith.constant 0 : i32
      %dma_start3A_27 = tpu.memref_slice %arg9[%add3A_9, %dma_start3A] : memref<10112x128xf32, #tpu.memory_space<vmem_shared>> -> memref<128x128xf32, #tpu.memory_space<vmem_shared>>
      %dma_start3A_28 = arith.constant 0 : i32
      %dma_start3A_29 = tpu.memref_slice %arg9[%add3A_9, %dma_start3A_28] : memref<10112x128xf32, #tpu.memory_space<vmem_shared>> -> memref<128x128xf32, #tpu.memory_space<vmem_shared>>
      tpu.enqueue_dma source(%arg8 : memref<128x128xf32, #tpu.memory_space<vmem>>) target(%dma_start3A_29 : memref<128x128xf32, #tpu.memory_space<vmem_shared>>) target_semaphore(%run_scoped3A : memref<!tpu.dma_semaphore, #tpu.memory_space<semaphore_mem>>)
      %dma_wait3A = arith.constant 0 : i32
      %dma_wait3A_30 = tpu.memref_slice %arg9[%add3A_9, %dma_wait3A] : memref<10112x128xf32, #tpu.memory_space<vmem_shared>> -> memref<128x128xf32, #tpu.memory_space<vmem_shared>>
      %dma_wait3A_31 = arith.constant 0 : i32
      %dma_wait3A_32 = tpu.memref_slice %arg9[%add3A_9, %dma_wait3A_31] : memref<10112x128xf32, #tpu.memory_space<vmem_shared>> -> memref<128x128xf32, #tpu.memory_space<vmem_shared>>
      tpu.wait_dma2 semaphore(%run_scoped3A : memref<!tpu.dma_semaphore, #tpu.memory_space<semaphore_mem>>) src(%arg8 : memref<128x128xf32, #tpu.memory_space<vmem>>) dst(%dma_wait3A_32 : memref<128x128xf32, #tpu.memory_space<vmem_shared>>)
      tpu.yield
    }) : () -> ()
    %add3A_10 = arith.constant 128 : i32
    %add3A_11 = arith.addi %mul3A_7, %add3A_10 : i32
    "tpu.region"() ({
      %run_scoped3A = tpu.sem_alloc : memref<!tpu.dma_semaphore, #tpu.memory_space<semaphore_mem>>
      %dma_start3A = arith.constant 0 : i32
      %dma_start3A_27 = tpu.memref_slice %arg9[%add3A_11, %dma_start3A] : memref<10112x128xf32, #tpu.memory_space<vmem_shared>> -> memref<128x128xf32, #tpu.memory_space<vmem_shared>>
      %dma_start3A_28 = arith.constant 0 : i32
      %dma_start3A_29 = tpu.memref_slice %arg9[%add3A_11, %dma_start3A_28] : memref<10112x128xf32, #tpu.memory_space<vmem_shared>> -> memref<128x128xf32, #tpu.memory_space<vmem_shared>>
      tpu.enqueue_dma source(%arg8 : memref<128x128xf32, #tpu.memory_space<vmem>>) target(%dma_start3A_29 : memref<128x128xf32, #tpu.memory_space<vmem_shared>>) target_semaphore(%run_scoped3A : memref<!tpu.dma_semaphore, #tpu.memory_space<semaphore_mem>>)
      %dma_wait3A = arith.constant 0 : i32
      %dma_wait3A_30 = tpu.memref_slice %arg9[%add3A_11, %dma_wait3A] : memref<10112x128xf32, #tpu.memory_space<vmem_shared>> -> memref<128x128xf32, #tpu.memory_space<vmem_shared>>
      %dma_wait3A_31 = arith.constant 0 : i32
      %dma_wait3A_32 = tpu.memref_slice %arg9[%add3A_11, %dma_wait3A_31] : memref<10112x128xf32, #tpu.memory_space<vmem_shared>> -> memref<128x128xf32, #tpu.memory_space<vmem_shared>>
      tpu.wait_dma2 semaphore(%run_scoped3A : memref<!tpu.dma_semaphore, #tpu.memory_space<semaphore_mem>>) src(%arg8 : memref<128x128xf32, #tpu.memory_space<vmem>>) dst(%dma_wait3A_32 : memref<128x128xf32, #tpu.memory_space<vmem_shared>>)
      tpu.yield
    }) : () -> ()
    %add3A_12 = arith.constant 256 : i32
    %add3A_13 = arith.addi %mul3A_7, %add3A_12 : i32
    "tpu.region"() ({
      %run_scoped3A = tpu.sem_alloc : memref<!tpu.dma_semaphore, #tpu.memory_space<semaphore_mem>>
      %dma_start3A = arith.constant 0 : i32
      %dma_start3A_27 = tpu.memref_slice %arg9[%add3A_13, %dma_start3A] : memref<10112x128xf32, #tpu.memory_space<vmem_shared>> -> memref<128x128xf32, #tpu.memory_space<vmem_shared>>
      %dma_start3A_28 = arith.constant 0 : i32
      %dma_start3A_29 = tpu.memref_slice %arg9[%add3A_13, %dma_start3A_28] : memref<10112x128xf32, #tpu.memory_space<vmem_shared>> -> memref<128x128xf32, #tpu.memory_space<vmem_shared>>
      tpu.enqueue_dma source(%arg8 : memref<128x128xf32, #tpu.memory_space<vmem>>) target(%dma_start3A_29 : memref<128x128xf32, #tpu.memory_space<vmem_shared>>) target_semaphore(%run_scoped3A : memref<!tpu.dma_semaphore, #tpu.memory_space<semaphore_mem>>)
      %dma_wait3A = arith.constant 0 : i32
      %dma_wait3A_30 = tpu.memref_slice %arg9[%add3A_13, %dma_wait3A] : memref<10112x128xf32, #tpu.memory_space<vmem_shared>> -> memref<128x128xf32, #tpu.memory_space<vmem_shared>>
      %dma_wait3A_31 = arith.constant 0 : i32
      %dma_wait3A_32 = tpu.memref_slice %arg9[%add3A_13, %dma_wait3A_31] : memref<10112x128xf32, #tpu.memory_space<vmem_shared>> -> memref<128x128xf32, #tpu.memory_space<vmem_shared>>
      tpu.wait_dma2 semaphore(%run_scoped3A : memref<!tpu.dma_semaphore, #tpu.memory_space<semaphore_mem>>) src(%arg8 : memref<128x128xf32, #tpu.memory_space<vmem>>) dst(%dma_wait3A_32 : memref<128x128xf32, #tpu.memory_space<vmem_shared>>)
      tpu.yield
    }) : () -> ()
    %add3A_14 = arith.constant 384 : i32
    %add3A_15 = arith.addi %mul3A_7, %add3A_14 : i32
    "tpu.region"() ({
      %run_scoped3A = tpu.sem_alloc : memref<!tpu.dma_semaphore, #tpu.memory_space<semaphore_mem>>
      %dma_start3A = arith.constant 0 : i32
      %dma_start3A_27 = tpu.memref_slice %arg9[%add3A_15, %dma_start3A] : memref<10112x128xf32, #tpu.memory_space<vmem_shared>> -> memref<128x128xf32, #tpu.memory_space<vmem_shared>>
      %dma_start3A_28 = arith.constant 0 : i32
      %dma_start3A_29 = tpu.memref_slice %arg9[%add3A_15, %dma_start3A_28] : memref<10112x128xf32, #tpu.memory_space<vmem_shared>> -> memref<128x128xf32, #tpu.memory_space<vmem_shared>>
      tpu.enqueue_dma source(%arg8 : memref<128x128xf32, #tpu.memory_space<vmem>>) target(%dma_start3A_29 : memref<128x128xf32, #tpu.memory_space<vmem_shared>>) target_semaphore(%run_scoped3A : memref<!tpu.dma_semaphore, #tpu.memory_space<semaphore_mem>>)
      %dma_wait3A = arith.constant 0 : i32
      %dma_wait3A_30 = tpu.memref_slice %arg9[%add3A_15, %dma_wait3A] : memref<10112x128xf32, #tpu.memory_space<vmem_shared>> -> memref<128x128xf32, #tpu.memory_space<vmem_shared>>
      %dma_wait3A_31 = arith.constant 0 : i32
      %dma_wait3A_32 = tpu.memref_slice %arg9[%add3A_15, %dma_wait3A_31] : memref<10112x128xf32, #tpu.memory_space<vmem_shared>> -> memref<128x128xf32, #tpu.memory_space<vmem_shared>>
      tpu.wait_dma2 semaphore(%run_scoped3A : memref<!tpu.dma_semaphore, #tpu.memory_space<semaphore_mem>>) src(%arg8 : memref<128x128xf32, #tpu.memory_space<vmem>>) dst(%dma_wait3A_32 : memref<128x128xf32, #tpu.memory_space<vmem_shared>>)
      tpu.yield
    }) : () -> ()
    %add3A_16 = arith.constant 512 : i32
    %add3A_17 = arith.addi %mul3A_7, %add3A_16 : i32
    "tpu.region"() ({
      %run_scoped3A = tpu.sem_alloc : memref<!tpu.dma_semaphore, #tpu.memory_space<semaphore_mem>>
      %dma_start3A = arith.constant 0 : i32
      %dma_start3A_27 = arith.constant 0 : i32
      %dma_start3A_28 = tpu.memref_slice %arg8[%dma_start3A, %dma_start3A_27] : memref<128x128xf32, #tpu.memory_space<vmem>> -> memref<120x128xf32, #tpu.memory_space<vmem>>
      %dma_start3A_29 = arith.constant 0 : i32
      %dma_start3A_30 = tpu.memref_slice %arg9[%add3A_17, %dma_start3A_29] : memref<10112x128xf32, #tpu.memory_space<vmem_shared>> -> memref<120x128xf32, #tpu.memory_space<vmem_shared>>
      %dma_start3A_31 = arith.constant 0 : i32
      %dma_start3A_32 = tpu.memref_slice %arg9[%add3A_17, %dma_start3A_31] : memref<10112x128xf32, #tpu.memory_space<vmem_shared>> -> memref<120x128xf32, #tpu.memory_space<vmem_shared>>
      %dma_start3A_33 = arith.constant 0 : i32
      %dma_start3A_34 = arith.constant 0 : i32
      %dma_start3A_35 = tpu.memref_slice %arg8[%dma_start3A_33, %dma_start3A_34] : memref<128x128xf32, #tpu.memory_space<vmem>> -> memref<120x128xf32, #tpu.memory_space<vmem>>
      tpu.enqueue_dma source(%dma_start3A_35 : memref<120x128xf32, #tpu.memory_space<vmem>>) target(%dma_start3A_32 : memref<120x128xf32, #tpu.memory_space<vmem_shared>>) target_semaphore(%run_scoped3A : memref<!tpu.dma_semaphore, #tpu.memory_space<semaphore_mem>>)
      %dma_wait3A = arith.constant 0 : i32
      %dma_wait3A_36 = arith.constant 0 : i32
      %dma_wait3A_37 = tpu.memref_slice %arg8[%dma_wait3A, %dma_wait3A_36] : memref<128x128xf32, #tpu.memory_space<vmem>> -> memref<120x128xf32, #tpu.memory_space<vmem>>
      %dma_wait3A_38 = arith.constant 0 : i32
      %dma_wait3A_39 = tpu.memref_slice %arg9[%add3A_17, %dma_wait3A_38] : memref<10112x128xf32, #tpu.memory_space<vmem_shared>> -> memref<120x128xf32, #tpu.memory_space<vmem_shared>>
      %dma_wait3A_40 = arith.constant 0 : i32
      %dma_wait3A_41 = tpu.memref_slice %arg9[%add3A_17, %dma_wait3A_40] : memref<10112x128xf32, #tpu.memory_space<vmem_shared>> -> memref<120x128xf32, #tpu.memory_space<vmem_shared>>
      %dma_wait3A_42 = arith.constant 0 : i32
      %dma_wait3A_43 = arith.constant 0 : i32
      %dma_wait3A_44 = tpu.memref_slice %arg8[%dma_wait3A_42, %dma_wait3A_43] : memref<128x128xf32, #tpu.memory_space<vmem>> -> memref<120x128xf32, #tpu.memory_space<vmem>>
      tpu.wait_dma2 semaphore(%run_scoped3A : memref<!tpu.dma_semaphore, #tpu.memory_space<semaphore_mem>>) src(%dma_wait3A_44 : memref<120x128xf32, #tpu.memory_space<vmem>>) dst(%dma_wait3A_41 : memref<120x128xf32, #tpu.memory_space<vmem_shared>>)
      tpu.yield
    }) : () -> ()
    %barrier3A = arith.constant 0 : index
    tpu.barrier barrier_id(%barrier3A)
    %mul3A_18 = arith.constant 10112 : i32
    %mul3A_19 = arith.muli %add3A, %mul3A_18 : i32
    "tpu.region"() ({
      %run_scoped3A = tpu.sem_alloc : memref<!tpu.dma_semaphore, #tpu.memory_space<semaphore_mem>>
      %dma_start3A = tpu.memref_slice %arg3[%mul3A_19] : memref<323584xi32, #tpu.memory_space<hbm>> -> memref<10112xi32, #tpu.memory_space<hbm>>
      %dma_start3A_27 = tpu.memref_slice %arg3[%mul3A_19] : memref<323584xi32, #tpu.memory_space<hbm>> -> memref<10112xi32, #tpu.memory_space<hbm>>
      tpu.enqueue_dma source(%dma_start3A_27 : memref<10112xi32, #tpu.memory_space<hbm>>) target(%arg6 : memref<10112xi32, #tpu.memory_space<vmem>>) target_semaphore(%run_scoped3A : memref<!tpu.dma_semaphore, #tpu.memory_space<semaphore_mem>>)
      %dma_wait3A = tpu.memref_slice %arg3[%mul3A_19] : memref<323584xi32, #tpu.memory_space<hbm>> -> memref<10112xi32, #tpu.memory_space<hbm>>
      %dma_wait3A_28 = tpu.memref_slice %arg3[%mul3A_19] : memref<323584xi32, #tpu.memory_space<hbm>> -> memref<10112xi32, #tpu.memory_space<hbm>>
      tpu.wait_dma2 semaphore(%run_scoped3A : memref<!tpu.dma_semaphore, #tpu.memory_space<semaphore_mem>>) src(%dma_wait3A_28 : memref<10112xi32, #tpu.memory_space<hbm>>) dst(%arg6 : memref<10112xi32, #tpu.memory_space<vmem>>)
      tpu.yield
    }) : () -> ()
    %scan3A_20 = arith.constant 0 : i32
    %scan3A_21 = arith.constant 0 : i32
    %scan3A_22 = arith.constant 79 : i32
    %scan3A_23 = arith.addi %scan3A_21, %scan3A_22 : i32
    %scan3A_24 = arith.constant 1 : i32
    scf.for %scan3A_27 = %scan3A_21 to %scan3A_23 step %scan3A_24  : i32 {
      %mul3A_28 = arith.constant 128 : i32
      %mul3A_29 = arith.muli %scan3A_27, %mul3A_28 : i32
      %add3A_30 = arith.addi %mul3A_19, %mul3A_29 : i32
      "tpu.region"() ({
        %run_scoped3A = tpu.sem_alloc : memref<!tpu.dma_semaphore, #tpu.memory_space<semaphore_mem>>
        %dma_start3A_39 = tpu.memref_slice %arg4[%add3A_30] : memref<323584xi32, #tpu.memory_space<hbm>> -> memref<128xi32, #tpu.memory_space<hbm>>
        %dma_start3A_40 = tpu.memref_slice %arg4[%add3A_30] : memref<323584xi32, #tpu.memory_space<hbm>> -> memref<128xi32, #tpu.memory_space<hbm>>
        tpu.enqueue_dma source(%dma_start3A_40 : memref<128xi32, #tpu.memory_space<hbm>>) target(%arg7 : memref<128xi32, #tpu.memory_space<vmem>>) target_semaphore(%run_scoped3A : memref<!tpu.dma_semaphore, #tpu.memory_space<semaphore_mem>>)
        %dma_wait3A_41 = tpu.memref_slice %arg4[%add3A_30] : memref<323584xi32, #tpu.memory_space<hbm>> -> memref<128xi32, #tpu.memory_space<hbm>>
        %dma_wait3A_42 = tpu.memref_slice %arg4[%add3A_30] : memref<323584xi32, #tpu.memory_space<hbm>> -> memref<128xi32, #tpu.memory_space<hbm>>
        tpu.wait_dma2 semaphore(%run_scoped3A : memref<!tpu.dma_semaphore, #tpu.memory_space<semaphore_mem>>) src(%dma_wait3A_42 : memref<128xi32, #tpu.memory_space<hbm>>) dst(%arg7 : memref<128xi32, #tpu.memory_space<vmem>>)
        tpu.yield
      }) : () -> ()
      %mul3A_31 = arith.constant 128 : i32
      %mul3A_32 = arith.muli %scan3A_27, %mul3A_31 : i32
      %dma_start3A = tpu.memref_slice %arg6[%mul3A_32] : memref<10112xi32, #tpu.memory_space<vmem>> -> memref<128xi32, #tpu.memory_space<vmem>>
      %dma_start3A_33 = arith.constant 0 : i32
      %dma_start3A_34 = arith.constant 0 : i32
      %dma_start3A_35 = tpu.memref_slice %arg2[%dma_start3A_33, %dma_start3A_34] : memref<10000x128xf32, #tpu.memory_space<hbm>> -> memref<10000x128xf32, #tpu.memory_space<hbm>>
      tpu.enqueue_indirect_dma source(%dma_start3A_35 : memref<10000x128xf32, #tpu.memory_space<hbm>>) target(%arg8 : memref<128x128xf32, #tpu.memory_space<vmem>>) offsets(%dma_start3A : memref<128xi32, #tpu.memory_space<vmem>>) semaphore(%arg10 : memref<!tpu.dma_semaphore, #tpu.memory_space<semaphore_mem>>)
      %dma_wait3A = tpu.memref_slice %arg6[%mul3A_32] : memref<10112xi32, #tpu.memory_space<vmem>> -> memref<128xi32, #tpu.memory_space<vmem>>
      %dma_wait3A_36 = arith.constant 0 : i32
      %dma_wait3A_37 = arith.constant 0 : i32
      %dma_wait3A_38 = tpu.memref_slice %arg2[%dma_wait3A_36, %dma_wait3A_37] : memref<10000x128xf32, #tpu.memory_space<hbm>> -> memref<10000x128xf32, #tpu.memory_space<hbm>>
      tpu.wait_indirect_dma semaphore(%arg10 : memref<!tpu.dma_semaphore, #tpu.memory_space<semaphore_mem>>) src(%dma_wait3A_38 : memref<10000x128xf32, #tpu.memory_space<hbm>>) dst(%arg8 : memref<128x128xf32, #tpu.memory_space<vmem>>)
      "tpu.region"() ({
        %run_scoped3A = tpu.sem_alloc : memref<!tpu.dma_semaphore, #tpu.memory_space<semaphore_mem>>
        %dma_start3A_39 = arith.constant 0 : i32
        %dma_start3A_40 = arith.constant 0 : i32
        %dma_start3A_41 = tpu.memref_slice %arg9[%dma_start3A_39, %dma_start3A_40] : memref<10112x128xf32, #tpu.memory_space<vmem_shared>> -> memref<10112x128xf32, #tpu.memory_space<vmem_shared>>
        tpu.enqueue_indirect_dma source(%arg8 : memref<128x128xf32, #tpu.memory_space<vmem>>) target(%dma_start3A_41 : memref<10112x128xf32, #tpu.memory_space<vmem_shared>>) offsets(%arg7 : memref<128xi32, #tpu.memory_space<vmem>>) semaphore(%run_scoped3A : memref<!tpu.dma_semaphore, #tpu.memory_space<semaphore_mem>>) {add = true}
        %dma_wait3A_42 = arith.constant 0 : i32
        %dma_wait3A_43 = arith.constant 0 : i32
        %dma_wait3A_44 = tpu.memref_slice %arg9[%dma_wait3A_42, %dma_wait3A_43] : memref<10112x128xf32, #tpu.memory_space<vmem_shared>> -> memref<10112x128xf32, #tpu.memory_space<vmem_shared>>
        tpu.wait_indirect_dma semaphore(%run_scoped3A : memref<!tpu.dma_semaphore, #tpu.memory_space<semaphore_mem>>) src(%arg8 : memref<128x128xf32, #tpu.memory_space<vmem>>) dst(%dma_wait3A_44 : memref<10112x128xf32, #tpu.memory_space<vmem_shared>>)
        tpu.yield
      }) : () -> ()
    }
    %scan3A_25 = arith.constant 79 : i32
    %barrier3A_26 = arith.constant 0 : index
    tpu.barrier barrier_id(%barrier3A_26)
    "tpu.region"() ({
      %run_scoped3A = tpu.sem_alloc : memref<!tpu.dma_semaphore, #tpu.memory_space<semaphore_mem>>
      %dma_start3A = arith.constant 0 : i32
      %dma_start3A_27 = tpu.memref_slice %arg5[%arg0, %mul3A_7, %dma_start3A] : memref<2x10112x128xf32, #tpu.memory_space<hbm>> -> memref<1x632x128xf32, #tpu.memory_space<hbm>>
      %dma_start3A_28 = tpu.memref_squeeze %dma_start3A_27 : memref<1x632x128xf32, #tpu.memory_space<hbm>> -> memref<632x128xf32, #tpu.memory_space<hbm>>
      %dma_start3A_29 = arith.constant 0 : i32
      %dma_start3A_30 = tpu.memref_slice %arg9[%mul3A_7, %dma_start3A_29] : memref<10112x128xf32, #tpu.memory_space<vmem_shared>> -> memref<632x128xf32, #tpu.memory_space<vmem_shared>>
      tpu.enqueue_dma source(%dma_start3A_30 : memref<632x128xf32, #tpu.memory_space<vmem_shared>>) target(%dma_start3A_28 : memref<632x128xf32, #tpu.memory_space<hbm>>) target_semaphore(%run_scoped3A : memref<!tpu.dma_semaphore, #tpu.memory_space<semaphore_mem>>)
      %dma_wait3A = arith.constant 0 : i32
      %dma_wait3A_31 = tpu.memref_slice %arg5[%arg0, %mul3A_7, %dma_wait3A] : memref<2x10112x128xf32, #tpu.memory_space<hbm>> -> memref<1x632x128xf32, #tpu.memory_space<hbm>>
      %dma_wait3A_32 = tpu.memref_squeeze %dma_wait3A_31 : memref<1x632x128xf32, #tpu.memory_space<hbm>> -> memref<632x128xf32, #tpu.memory_space<hbm>>
      %dma_wait3A_33 = arith.constant 0 : i32
      %dma_wait3A_34 = tpu.memref_slice %arg9[%mul3A_7, %dma_wait3A_33] : memref<10112x128xf32, #tpu.memory_space<vmem_shared>> -> memref<632x128xf32, #tpu.memory_space<vmem_shared>>
      tpu.wait_dma2 semaphore(%run_scoped3A : memref<!tpu.dma_semaphore, #tpu.memory_space<semaphore_mem>>) src(%dma_wait3A_34 : memref<632x128xf32, #tpu.memory_space<vmem_shared>>) dst(%dma_wait3A_32 : memref<632x128xf32, #tpu.memory_space<hbm>>)
      tpu.yield
    }) : () -> ()
    return
  }
}

module attributes {stable_mosaic.version = 14 : i64} {
  func.func @body(%arg0: i32, %arg1: memref<2000x128xf32, #tpu.memory_space<vmem>>, %arg2: memref<128x128xf32, #tpu.memory_space<vmem>>, %arg3: memref<1x128xf32, #tpu.memory_space<vmem>>, %arg4: memref<2000x128xf32, #tpu.memory_space<vmem>>) attributes {dimension_semantics = [#tpu.dimension_semantics<arbitrary>], iteration_bounds = array<i64: 5>, scalar_prefetch = 0 : i64, scratch_operands = 0 : i64, tpu.core_type = #tpu.core_type<tc>, window_params = [{transform_indices = @transform_0, window_bounds = array<i64: 2000, 128>}, {pipeline_mode = #tpu.pipeline_mode<synchronous>, transform_indices = @transform_1, window_bounds = array<i64: 128, 128>}, {pipeline_mode = #tpu.pipeline_mode<synchronous>, transform_indices = @transform_2, window_bounds = array<i64: 1, 128>}, {transform_indices = @transform_3, window_bounds = array<i64: 2000, 128>}]} {
    %get3A = arith.constant 0 : index
    %get3A_0 = arith.constant 0 : index
    %get3A_1 = vector.load %arg1[%get3A, %get3A_0] : memref<2000x128xf32, #tpu.memory_space<vmem>>, vector<2000x128xf32>
    %get3A_2 = arith.constant 0 : index
    %get3A_3 = arith.constant 0 : index
    %get3A_4 = vector.load %arg2[%get3A_2, %get3A_3] : memref<128x128xf32, #tpu.memory_space<vmem>>, vector<128x128xf32>
    %dot_general3A = arith.constant dense<0.000000e+00> : vector<2000x128xf32>
    %dot_general3A_5 = tpu.matmul %get3A_1, %get3A_4, %dot_general3A {dimension_numbers = #tpu.dot_dimension_numbers<[1], [0], [0], [1], [0, 0, 1, 1], [], []>, transpose_lhs_hint = false} : vector<2000x128xf32>, vector<128x128xf32>, vector<2000x128xf32> -> vector<2000x128xf32>
    %get3A_6 = arith.constant 0 : index
    %get3A_7 = arith.constant 0 : index
    %get3A_8 = vector.load %arg3[%get3A_6, %get3A_7] : memref<1x128xf32, #tpu.memory_space<vmem>>, vector<1x128xf32>
    %add3A = vector.broadcast %get3A_8 : vector<1x128xf32> to vector<2000x128xf32>
    %add3A_9 = arith.addf %dot_general3A_5, %add3A : vector<2000x128xf32>
    %max3A = arith.constant 0.000000e+00 : f32
    %max3A_10 = vector.broadcast %max3A : f32 to vector<2000x128xf32>
    %max3A_11 = arith.maximumf %add3A_9, %max3A_10 : vector<2000x128xf32>
    %swap3A = arith.constant 0 : index
    %swap3A_12 = arith.constant 0 : index
    %swap3A_13 = vector.load %arg4[%swap3A, %swap3A_12] : memref<2000x128xf32, #tpu.memory_space<vmem>>, vector<2000x128xf32>
    tpu.vector_store %arg4[%swap3A, %swap3A_12], %max3A_11 {strides = array<i32>} : memref<2000x128xf32, #tpu.memory_space<vmem>>, vector<2000x128xf32>,
    return
  }
  func.func @transform_0(%arg0: i32) -> (i32, i32) {
    %c0_i32 = arith.constant 0 : i32
    %c0_i32_0 = arith.constant 0 : i32
    return %arg0, %c0_i32 : i32, i32
  }
  func.func @transform_1(%arg0: i32) -> (i32, i32) {
    %c0_i32 = arith.constant 0 : i32
    %c0_i32_0 = arith.constant 0 : i32
    %c0_i32_1 = arith.constant 0 : i32
    return %c0_i32, %c0_i32_0 : i32, i32
  }
  func.func @transform_2(%arg0: i32) -> (i32, i32) {
    %c0_i32 = arith.constant 0 : i32
    %c0_i32_0 = arith.constant 0 : i32
    %c0_i32_1 = arith.constant 0 : i32
    return %c0_i32, %c0_i32_0 : i32, i32
  }
  func.func @transform_3(%arg0: i32) -> (i32, i32) {
    %c0_i32 = arith.constant 0 : i32
    %c0_i32_0 = arith.constant 0 : i32
    return %arg0, %c0_i32 : i32, i32
  }
}

module attributes {stable_mosaic.version = 14 : i64} {
  func.func @body(%arg0: i32, %arg1: memref<2000x128xf32, #tpu.memory_space<vmem>>, %arg2: memref<128x128xf32, #tpu.memory_space<vmem>>, %arg3: memref<1x128xf32, #tpu.memory_space<vmem>>, %arg4: memref<2000x128xf32, #tpu.memory_space<vmem>>) attributes {dimension_semantics = [#tpu.dimension_semantics<arbitrary>], iteration_bounds = array<i64: 5>, scalar_prefetch = 0 : i64, scratch_operands = 0 : i64, tpu.core_type = #tpu.core_type<tc>, window_params = [{transform_indices = @transform_0, window_bounds = array<i64: 2000, 128>}, {pipeline_mode = #tpu.pipeline_mode<synchronous>, transform_indices = @transform_1, window_bounds = array<i64: 128, 128>}, {pipeline_mode = #tpu.pipeline_mode<synchronous>, transform_indices = @transform_2, window_bounds = array<i64: 1, 128>}, {transform_indices = @transform_3, window_bounds = array<i64: 2000, 128>}]} {
    %get3A = arith.constant 0 : index
    %get3A_0 = arith.constant 0 : index
    %get3A_1 = vector.load %arg1[%get3A, %get3A_0] : memref<2000x128xf32, #tpu.memory_space<vmem>>, vector<2000x128xf32>
    %get3A_2 = arith.constant 0 : index
    %get3A_3 = arith.constant 0 : index
    %get3A_4 = vector.load %arg2[%get3A_2, %get3A_3] : memref<128x128xf32, #tpu.memory_space<vmem>>, vector<128x128xf32>
    %dot_general3A = arith.constant dense<0.000000e+00> : vector<2000x128xf32>
    %dot_general3A_5 = tpu.matmul %get3A_1, %get3A_4, %dot_general3A {dimension_numbers = #tpu.dot_dimension_numbers<[1], [0], [0], [1], [0, 0, 1, 1], [], []>, transpose_lhs_hint = false} : vector<2000x128xf32>, vector<128x128xf32>, vector<2000x128xf32> -> vector<2000x128xf32>
    %get3A_6 = arith.constant 0 : index
    %get3A_7 = arith.constant 0 : index
    %get3A_8 = vector.load %arg3[%get3A_6, %get3A_7] : memref<1x128xf32, #tpu.memory_space<vmem>>, vector<1x128xf32>
    %add3A = vector.broadcast %get3A_8 : vector<1x128xf32> to vector<2000x128xf32>
    %add3A_9 = arith.addf %dot_general3A_5, %add3A : vector<2000x128xf32>
    %swap3A = arith.constant 0 : index
    %swap3A_10 = arith.constant 0 : index
    %swap3A_11 = vector.load %arg4[%swap3A, %swap3A_10] : memref<2000x128xf32, #tpu.memory_space<vmem>>, vector<2000x128xf32>
    tpu.vector_store %arg4[%swap3A, %swap3A_10], %add3A_9 {strides = array<i32>} : memref<2000x128xf32, #tpu.memory_space<vmem>>, vector<2000x128xf32>,
    return
  }
  func.func @transform_0(%arg0: i32) -> (i32, i32) {
    %c0_i32 = arith.constant 0 : i32
    %c0_i32_0 = arith.constant 0 : i32
    return %arg0, %c0_i32 : i32, i32
  }
  func.func @transform_1(%arg0: i32) -> (i32, i32) {
    %c0_i32 = arith.constant 0 : i32
    %c0_i32_0 = arith.constant 0 : i32
    %c0_i32_1 = arith.constant 0 : i32
    return %c0_i32, %c0_i32_0 : i32, i32
  }
  func.func @transform_2(%arg0: i32) -> (i32, i32) {
    %c0_i32 = arith.constant 0 : i32
    %c0_i32_0 = arith.constant 0 : i32
    %c0_i32_1 = arith.constant 0 : i32
    return %c0_i32, %c0_i32_0 : i32, i32
  }
  func.func @transform_3(%arg0: i32) -> (i32, i32) {
    %c0_i32 = arith.constant 0 : i32
    %c0_i32_0 = arith.constant 0 : i32
    return %arg0, %c0_i32 : i32, i32
  }
}

module attributes {stable_mosaic.version = 14 : i64} {
  func.func @body(%arg0: i32, %arg1: memref<1x2000x128xf32, #tpu.memory_space<vmem>>, %arg2: memref<1x2000x128xf32, #tpu.memory_space<vmem>>, %arg3: memref<2000x128xf32, #tpu.memory_space<vmem>>, %arg4: memref<2000x128xf32, #tpu.memory_space<vmem>>, %arg5: memref<2x128xf32, #tpu.memory_space<vmem>>) attributes {dimension_semantics = [#tpu.dimension_semantics<arbitrary>], iteration_bounds = array<i64: 5>, scalar_prefetch = 0 : i64, scratch_operands = 0 : i64, tpu.core_type = #tpu.core_type<tc>, window_params = [{transform_indices = @transform_0, window_bounds = array<i64: 1, 2000, 128>}, {transform_indices = @transform_1, window_bounds = array<i64: 1, 2000, 128>}, {transform_indices = @transform_2, window_bounds = array<i64: 2000, 128>}, {transform_indices = @transform_3, window_bounds = array<i64: 2000, 128>}, {pipeline_mode = #tpu.pipeline_mode<synchronous>, transform_indices = @transform_4, window_bounds = array<i64: 2, 128>}]} {
    %get3A = arith.constant 0 : index
    %get3A_0 = arith.constant 0 : index
    %get3A_1 = arith.constant 0 : index
    %get3A_2 = vector.load %arg1[%get3A, %get3A_0, %get3A_1] : memref<1x2000x128xf32, #tpu.memory_space<vmem>>, vector<1x2000x128xf32>
    %get3A_3 = vector.shape_cast %get3A_2 : vector<1x2000x128xf32> to vector<2000x128xf32>
    %get3A_4 = arith.constant 0 : index
    %get3A_5 = arith.constant 0 : index
    %get3A_6 = arith.constant 0 : index
    %get3A_7 = vector.load %arg2[%get3A_4, %get3A_5, %get3A_6] : memref<1x2000x128xf32, #tpu.memory_space<vmem>>, vector<1x2000x128xf32>
    %get3A_8 = vector.shape_cast %get3A_7 : vector<1x2000x128xf32> to vector<2000x128xf32>
    %add3A = arith.addf %get3A_3, %get3A_8 : vector<2000x128xf32>
    %max3A = arith.constant 0.000000e+00 : f32
    %max3A_9 = vector.broadcast %max3A : f32 to vector<2000x128xf32>
    %max3A_10 = arith.maximumf %add3A, %max3A_9 : vector<2000x128xf32>
    %get3A_11 = arith.constant 0 : index
    %get3A_12 = arith.constant 0 : index
    %get3A_13 = vector.load %arg3[%get3A_11, %get3A_12] : memref<2000x128xf32, #tpu.memory_space<vmem>>, vector<2000x128xf32>
    %add3A_14 = arith.addf %max3A_10, %get3A_13 : vector<2000x128xf32>
    %swap3A = arith.constant 0 : index
    %swap3A_15 = arith.constant 0 : index
    %swap3A_16 = vector.load %arg4[%swap3A, %swap3A_15] : memref<2000x128xf32, #tpu.memory_space<vmem>>, vector<2000x128xf32>
    tpu.vector_store %arg4[%swap3A, %swap3A_15], %add3A_14 {strides = array<i32>} : memref<2000x128xf32, #tpu.memory_space<vmem>>, vector<2000x128xf32>,
    %reduce_sum3A = arith.constant dense<0.000000e+00> : vector<128xf32>
    %reduce_sum3A_17 = vector.multi_reduction <add>, %add3A_14, %reduce_sum3A [0] : vector<2000x128xf32> to vector<128xf32>
    %broadcast_in_dim3A = vector.shape_cast %reduce_sum3A_17 : vector<128xf32> to vector<1x128xf32>
    %mul3A = arith.mulf %add3A_14, %add3A_14 : vector<2000x128xf32>
    %reduce_sum3A_18 = arith.constant dense<0.000000e+00> : vector<128xf32>
    %reduce_sum3A_19 = vector.multi_reduction <add>, %mul3A, %reduce_sum3A_18 [0] : vector<2000x128xf32> to vector<128xf32>
    %broadcast_in_dim3A_20 = vector.shape_cast %reduce_sum3A_19 : vector<128xf32> to vector<1x128xf32>
    %concatenate3A = tpu.concatenate %broadcast_in_dim3A, %broadcast_in_dim3A_20 in 0 : vector<1x128xf32>, vector<1x128xf32> -> vector<2x128xf32>
    %eq3A = arith.constant 0 : i32
    %eq3A_21 = arith.cmpi eq, %arg0, %eq3A : i32
    %convert_element_type3A = arith.extui %eq3A_21 : i1 to i32
    %cond3A = arith.constant 0 : i32
    %cond3A_22 = arith.cmpi ne, %convert_element_type3A, %cond3A : i32
    scf.if %cond3A_22 {
      %swap3A_27 = arith.constant 0 : index
      %swap3A_28 = arith.constant 0 : index
      %swap3A_29 = vector.load %arg5[%swap3A_27, %swap3A_28] : memref<2x128xf32, #tpu.memory_space<vmem>>, vector<2x128xf32>
      tpu.vector_store %arg5[%swap3A_27, %swap3A_28], %concatenate3A {strides = array<i32>} : memref<2x128xf32, #tpu.memory_space<vmem>>, vector<2x128xf32>,
    } else {
    }
    %gt3A = arith.constant 0 : i32
    %gt3A_23 = arith.cmpi sgt, %arg0, %gt3A : i32
    %convert_element_type3A_24 = arith.extui %gt3A_23 : i1 to i32
    %cond3A_25 = arith.constant 0 : i32
    %cond3A_26 = arith.cmpi ne, %convert_element_type3A_24, %cond3A_25 : i32
    scf.if %cond3A_26 {
      %get3A_27 = arith.constant 0 : index
      %get3A_28 = arith.constant 0 : index
      %get3A_29 = vector.load %arg5[%get3A_27, %get3A_28] : memref<2x128xf32, #tpu.memory_space<vmem>>, vector<2x128xf32>
      %add3A_30 = arith.addf %get3A_29, %concatenate3A : vector<2x128xf32>
      %swap3A_31 = arith.constant 0 : index
      %swap3A_32 = arith.constant 0 : index
      %swap3A_33 = vector.load %arg5[%swap3A_31, %swap3A_32] : memref<2x128xf32, #tpu.memory_space<vmem>>, vector<2x128xf32>
      tpu.vector_store %arg5[%swap3A_31, %swap3A_32], %add3A_30 {strides = array<i32>} : memref<2x128xf32, #tpu.memory_space<vmem>>, vector<2x128xf32>,
    } else {
    }
    return
  }
  func.func @transform_0(%arg0: i32) -> (i32, i32, i32) {
    %c0_i32 = arith.constant 0 : i32
    %c0_i32_0 = arith.constant 0 : i32
    %c0_i32_1 = arith.constant 0 : i32
    return %c0_i32, %arg0, %c0_i32_0 : i32, i32, i32
  }
  func.func @transform_1(%arg0: i32) -> (i32, i32, i32) {
    %c1_i32 = arith.constant 1 : i32
    %c0_i32 = arith.constant 0 : i32
    %c0_i32_0 = arith.constant 0 : i32
    return %c1_i32, %arg0, %c0_i32 : i32, i32, i32
  }
  func.func @transform_2(%arg0: i32) -> (i32, i32) {
    %c0_i32 = arith.constant 0 : i32
    %c0_i32_0 = arith.constant 0 : i32
    return %arg0, %c0_i32 : i32, i32
  }
  func.func @transform_3(%arg0: i32) -> (i32, i32) {
    %c0_i32 = arith.constant 0 : i32
    %c0_i32_0 = arith.constant 0 : i32
    return %arg0, %c0_i32 : i32, i32
  }
  func.func @transform_4(%arg0: i32) -> (i32, i32) {
    %c0_i32 = arith.constant 0 : i32
    %c0_i32_0 = arith.constant 0 : i32
    %c0_i32_1 = arith.constant 0 : i32
    return %c0_i32, %c0_i32_0 : i32, i32
  }
}

module attributes {stable_mosaic.version = 14 : i64} {
  func.func @body(%arg0: i32, %arg1: memref<2000x128xf32, #tpu.memory_space<vmem>>, %arg2: memref<2x128xf32, #tpu.memory_space<vmem>>, %arg3: memref<1x128xf32, #tpu.memory_space<vmem>>, %arg4: memref<1x128xf32, #tpu.memory_space<vmem>>, %arg5: memref<128x128xf32, #tpu.memory_space<vmem>>, %arg6: memref<1x128xf32, #tpu.memory_space<vmem>>, %arg7: memref<2000x128xf32, #tpu.memory_space<vmem>>) attributes {dimension_semantics = [#tpu.dimension_semantics<arbitrary>], iteration_bounds = array<i64: 5>, scalar_prefetch = 0 : i64, scratch_operands = 0 : i64, tpu.core_type = #tpu.core_type<tc>, window_params = [{transform_indices = @transform_0, window_bounds = array<i64: 2000, 128>}, {pipeline_mode = #tpu.pipeline_mode<synchronous>, transform_indices = @transform_1, window_bounds = array<i64: 2, 128>}, {pipeline_mode = #tpu.pipeline_mode<synchronous>, transform_indices = @transform_2, window_bounds = array<i64: 1, 128>}, {pipeline_mode = #tpu.pipeline_mode<synchronous>, transform_indices = @transform_3, window_bounds = array<i64: 1, 128>}, {pipeline_mode = #tpu.pipeline_mode<synchronous>, transform_indices = @transform_4, window_bounds = array<i64: 128, 128>}, {pipeline_mode = #tpu.pipeline_mode<synchronous>, transform_indices = @transform_5, window_bounds = array<i64: 1, 128>}, {transform_indices = @transform_6, window_bounds = array<i64: 2000, 128>}]} {
    %get3A = arith.constant 0 : index
    %get3A_0 = arith.constant 0 : index
    %get3A_1 = vector.load %arg2[%get3A, %get3A_0] : memref<2x128xf32, #tpu.memory_space<vmem>>, vector<1x128xf32>
    %get3A_2 = arith.constant 1 : index
    %get3A_3 = arith.constant 0 : index
    %get3A_4 = vector.load %arg2[%get3A_2, %get3A_3] : memref<2x128xf32, #tpu.memory_space<vmem>>, vector<1x128xf32>
    %mul3A = arith.constant 9.99999974E-5 : f32
    %mul3A_5 = vector.broadcast %mul3A : f32 to vector<1x128xf32>
    %mul3A_6 = arith.mulf %get3A_1, %mul3A_5 : vector<1x128xf32>
    %mul3A_7 = arith.constant 9.99999974E-5 : f32
    %mul3A_8 = vector.broadcast %mul3A_7 : f32 to vector<1x128xf32>
    %mul3A_9 = arith.mulf %get3A_4, %mul3A_8 : vector<1x128xf32>
    %mul3A_10 = arith.mulf %mul3A_6, %mul3A_6 : vector<1x128xf32>
    %sub3A = arith.subf %mul3A_9, %mul3A_10 : vector<1x128xf32>
    %get3A_11 = arith.constant 0 : index
    %get3A_12 = arith.constant 0 : index
    %get3A_13 = vector.load %arg3[%get3A_11, %get3A_12] : memref<1x128xf32, #tpu.memory_space<vmem>>, vector<1x128xf32>
    %add3A = arith.constant 9.99999974E-6 : f32
    %add3A_14 = vector.broadcast %add3A : f32 to vector<1x128xf32>
    %add3A_15 = arith.addf %sub3A, %add3A_14 : vector<1x128xf32>
    %rsqrt3A = math.rsqrt %add3A_15 : vector<1x128xf32>
    %mul3A_16 = arith.mulf %get3A_13, %rsqrt3A : vector<1x128xf32>
    %get3A_17 = arith.constant 0 : index
    %get3A_18 = arith.constant 0 : index
    %get3A_19 = vector.load %arg4[%get3A_17, %get3A_18] : memref<1x128xf32, #tpu.memory_space<vmem>>, vector<1x128xf32>
    %mul3A_20 = arith.mulf %mul3A_6, %mul3A_16 : vector<1x128xf32>
    %sub3A_21 = arith.subf %get3A_19, %mul3A_20 : vector<1x128xf32>
    %get3A_22 = arith.constant 0 : index
    %get3A_23 = arith.constant 0 : index
    %get3A_24 = vector.load %arg1[%get3A_22, %get3A_23] : memref<2000x128xf32, #tpu.memory_space<vmem>>, vector<2000x128xf32>
    %mul3A_25 = vector.broadcast %mul3A_16 : vector<1x128xf32> to vector<2000x128xf32>
    %mul3A_26 = arith.mulf %get3A_24, %mul3A_25 : vector<2000x128xf32>
    %add3A_27 = vector.broadcast %sub3A_21 : vector<1x128xf32> to vector<2000x128xf32>
    %add3A_28 = arith.addf %mul3A_26, %add3A_27 : vector<2000x128xf32>
    %get3A_29 = arith.constant 0 : index
    %get3A_30 = arith.constant 0 : index
    %get3A_31 = vector.load %arg5[%get3A_29, %get3A_30] : memref<128x128xf32, #tpu.memory_space<vmem>>, vector<128x128xf32>
    %dot_general3A = arith.constant dense<0.000000e+00> : vector<2000x128xf32>
    %dot_general3A_32 = tpu.matmul %add3A_28, %get3A_31, %dot_general3A {dimension_numbers = #tpu.dot_dimension_numbers<[1], [0], [0], [1], [0, 0, 1, 1], [], []>, transpose_lhs_hint = false} : vector<2000x128xf32>, vector<128x128xf32>, vector<2000x128xf32> -> vector<2000x128xf32>
    %get3A_33 = arith.constant 0 : index
    %get3A_34 = arith.constant 0 : index
    %get3A_35 = vector.load %arg6[%get3A_33, %get3A_34] : memref<1x128xf32, #tpu.memory_space<vmem>>, vector<1x128xf32>
    %add3A_36 = vector.broadcast %get3A_35 : vector<1x128xf32> to vector<2000x128xf32>
    %add3A_37 = arith.addf %dot_general3A_32, %add3A_36 : vector<2000x128xf32>
    %swap3A = arith.constant 0 : index
    %swap3A_38 = arith.constant 0 : index
    %swap3A_39 = vector.load %arg7[%swap3A, %swap3A_38] : memref<2000x128xf32, #tpu.memory_space<vmem>>, vector<2000x128xf32>
    tpu.vector_store %arg7[%swap3A, %swap3A_38], %add3A_37 {strides = array<i32>} : memref<2000x128xf32, #tpu.memory_space<vmem>>, vector<2000x128xf32>,
    return
  }
  func.func @transform_0(%arg0: i32) -> (i32, i32) {
    %c0_i32 = arith.constant 0 : i32
    %c0_i32_0 = arith.constant 0 : i32
    return %arg0, %c0_i32 : i32, i32
  }
  func.func @transform_1(%arg0: i32) -> (i32, i32) {
    %c0_i32 = arith.constant 0 : i32
    %c0_i32_0 = arith.constant 0 : i32
    %c0_i32_1 = arith.constant 0 : i32
    return %c0_i32, %c0_i32_0 : i32, i32
  }
  func.func @transform_2(%arg0: i32) -> (i32, i32) {
    %c0_i32 = arith.constant 0 : i32
    %c0_i32_0 = arith.constant 0 : i32
    %c0_i32_1 = arith.constant 0 : i32
    return %c0_i32, %c0_i32_0 : i32, i32
  }
  func.func @transform_3(%arg0: i32) -> (i32, i32) {
    %c0_i32 = arith.constant 0 : i32
    %c0_i32_0 = arith.constant 0 : i32
    %c0_i32_1 = arith.constant 0 : i32
    return %c0_i32, %c0_i32_0 : i32, i32
  }
  func.func @transform_4(%arg0: i32) -> (i32, i32) {
    %c0_i32 = arith.constant 0 : i32
    %c0_i32_0 = arith.constant 0 : i32
    %c0_i32_1 = arith.constant 0 : i32
    return %c0_i32, %c0_i32_0 : i32, i32
  }
  func.func @transform_5(%arg0: i32) -> (i32, i32) {
    %c0_i32 = arith.constant 0 : i32
    %c0_i32_0 = arith.constant 0 : i32
    %c0_i32_1 = arith.constant 0 : i32
    return %c0_i32, %c0_i32_0 : i32, i32
  }
  func.func @transform_6(%arg0: i32) -> (i32, i32) {
    %c0_i32 = arith.constant 0 : i32
    %c0_i32_0 = arith.constant 0 : i32
    return %arg0, %c0_i32 : i32, i32
  }
}

module attributes {stable_mosaic.version = 14 : i64} {
  func.func @body(%arg0: i32, %arg1: memref<2000x128xf32, #tpu.memory_space<vmem>>, %arg2: memref<2x128xf32, #tpu.memory_space<vmem>>, %arg3: memref<1x128xf32, #tpu.memory_space<vmem>>, %arg4: memref<1x128xf32, #tpu.memory_space<vmem>>, %arg5: memref<128x128xf32, #tpu.memory_space<vmem>>, %arg6: memref<1x128xf32, #tpu.memory_space<vmem>>, %arg7: memref<2000x128xf32, #tpu.memory_space<vmem>>) attributes {dimension_semantics = [#tpu.dimension_semantics<arbitrary>], iteration_bounds = array<i64: 5>, scalar_prefetch = 0 : i64, scratch_operands = 0 : i64, tpu.core_type = #tpu.core_type<tc>, window_params = [{transform_indices = @transform_0, window_bounds = array<i64: 2000, 128>}, {pipeline_mode = #tpu.pipeline_mode<synchronous>, transform_indices = @transform_1, window_bounds = array<i64: 2, 128>}, {pipeline_mode = #tpu.pipeline_mode<synchronous>, transform_indices = @transform_2, window_bounds = array<i64: 1, 128>}, {pipeline_mode = #tpu.pipeline_mode<synchronous>, transform_indices = @transform_3, window_bounds = array<i64: 1, 128>}, {pipeline_mode = #tpu.pipeline_mode<synchronous>, transform_indices = @transform_4, window_bounds = array<i64: 128, 128>}, {pipeline_mode = #tpu.pipeline_mode<synchronous>, transform_indices = @transform_5, window_bounds = array<i64: 1, 128>}, {transform_indices = @transform_6, window_bounds = array<i64: 2000, 128>}]} {
    %get3A = arith.constant 0 : index
    %get3A_0 = arith.constant 0 : index
    %get3A_1 = vector.load %arg2[%get3A, %get3A_0] : memref<2x128xf32, #tpu.memory_space<vmem>>, vector<1x128xf32>
    %get3A_2 = arith.constant 1 : index
    %get3A_3 = arith.constant 0 : index
    %get3A_4 = vector.load %arg2[%get3A_2, %get3A_3] : memref<2x128xf32, #tpu.memory_space<vmem>>, vector<1x128xf32>
    %mul3A = arith.constant 9.99999974E-5 : f32
    %mul3A_5 = vector.broadcast %mul3A : f32 to vector<1x128xf32>
    %mul3A_6 = arith.mulf %get3A_1, %mul3A_5 : vector<1x128xf32>
    %mul3A_7 = arith.constant 9.99999974E-5 : f32
    %mul3A_8 = vector.broadcast %mul3A_7 : f32 to vector<1x128xf32>
    %mul3A_9 = arith.mulf %get3A_4, %mul3A_8 : vector<1x128xf32>
    %mul3A_10 = arith.mulf %mul3A_6, %mul3A_6 : vector<1x128xf32>
    %sub3A = arith.subf %mul3A_9, %mul3A_10 : vector<1x128xf32>
    %get3A_11 = arith.constant 0 : index
    %get3A_12 = arith.constant 0 : index
    %get3A_13 = vector.load %arg3[%get3A_11, %get3A_12] : memref<1x128xf32, #tpu.memory_space<vmem>>, vector<1x128xf32>
    %add3A = arith.constant 9.99999974E-6 : f32
    %add3A_14 = vector.broadcast %add3A : f32 to vector<1x128xf32>
    %add3A_15 = arith.addf %sub3A, %add3A_14 : vector<1x128xf32>
    %rsqrt3A = math.rsqrt %add3A_15 : vector<1x128xf32>
    %mul3A_16 = arith.mulf %get3A_13, %rsqrt3A : vector<1x128xf32>
    %get3A_17 = arith.constant 0 : index
    %get3A_18 = arith.constant 0 : index
    %get3A_19 = vector.load %arg4[%get3A_17, %get3A_18] : memref<1x128xf32, #tpu.memory_space<vmem>>, vector<1x128xf32>
    %mul3A_20 = arith.mulf %mul3A_6, %mul3A_16 : vector<1x128xf32>
    %sub3A_21 = arith.subf %get3A_19, %mul3A_20 : vector<1x128xf32>
    %get3A_22 = arith.constant 0 : index
    %get3A_23 = arith.constant 0 : index
    %get3A_24 = vector.load %arg1[%get3A_22, %get3A_23] : memref<2000x128xf32, #tpu.memory_space<vmem>>, vector<2000x128xf32>
    %mul3A_25 = vector.broadcast %mul3A_16 : vector<1x128xf32> to vector<2000x128xf32>
    %mul3A_26 = arith.mulf %get3A_24, %mul3A_25 : vector<2000x128xf32>
    %add3A_27 = vector.broadcast %sub3A_21 : vector<1x128xf32> to vector<2000x128xf32>
    %add3A_28 = arith.addf %mul3A_26, %add3A_27 : vector<2000x128xf32>
    %get3A_29 = arith.constant 0 : index
    %get3A_30 = arith.constant 0 : index
    %get3A_31 = vector.load %arg5[%get3A_29, %get3A_30] : memref<128x128xf32, #tpu.memory_space<vmem>>, vector<128x128xf32>
    %dot_general3A = arith.constant dense<0.000000e+00> : vector<2000x128xf32>
    %dot_general3A_32 = tpu.matmul %add3A_28, %get3A_31, %dot_general3A {dimension_numbers = #tpu.dot_dimension_numbers<[1], [0], [0], [1], [0, 0, 1, 1], [], []>, transpose_lhs_hint = false} : vector<2000x128xf32>, vector<128x128xf32>, vector<2000x128xf32> -> vector<2000x128xf32>
    %get3A_33 = arith.constant 0 : index
    %get3A_34 = arith.constant 0 : index
    %get3A_35 = vector.load %arg6[%get3A_33, %get3A_34] : memref<1x128xf32, #tpu.memory_space<vmem>>, vector<1x128xf32>
    %add3A_36 = vector.broadcast %get3A_35 : vector<1x128xf32> to vector<2000x128xf32>
    %add3A_37 = arith.addf %dot_general3A_32, %add3A_36 : vector<2000x128xf32>
    %max3A = arith.constant 0.000000e+00 : f32
    %max3A_38 = vector.broadcast %max3A : f32 to vector<2000x128xf32>
    %max3A_39 = arith.maximumf %add3A_37, %max3A_38 : vector<2000x128xf32>
    %swap3A = arith.constant 0 : index
    %swap3A_40 = arith.constant 0 : index
    %swap3A_41 = vector.load %arg7[%swap3A, %swap3A_40] : memref<2000x128xf32, #tpu.memory_space<vmem>>, vector<2000x128xf32>
    tpu.vector_store %arg7[%swap3A, %swap3A_40], %max3A_39 {strides = array<i32>} : memref<2000x128xf32, #tpu.memory_space<vmem>>, vector<2000x128xf32>,
    return
  }
  func.func @transform_0(%arg0: i32) -> (i32, i32) {
    %c0_i32 = arith.constant 0 : i32
    %c0_i32_0 = arith.constant 0 : i32
    return %arg0, %c0_i32 : i32, i32
  }
  func.func @transform_1(%arg0: i32) -> (i32, i32) {
    %c0_i32 = arith.constant 0 : i32
    %c0_i32_0 = arith.constant 0 : i32
    %c0_i32_1 = arith.constant 0 : i32
    return %c0_i32, %c0_i32_0 : i32, i32
  }
  func.func @transform_2(%arg0: i32) -> (i32, i32) {
    %c0_i32 = arith.constant 0 : i32
    %c0_i32_0 = arith.constant 0 : i32
    %c0_i32_1 = arith.constant 0 : i32
    return %c0_i32, %c0_i32_0 : i32, i32
  }
  func.func @transform_3(%arg0: i32) -> (i32, i32) {
    %c0_i32 = arith.constant 0 : i32
    %c0_i32_0 = arith.constant 0 : i32
    %c0_i32_1 = arith.constant 0 : i32
    return %c0_i32, %c0_i32_0 : i32, i32
  }
  func.func @transform_4(%arg0: i32) -> (i32, i32) {
    %c0_i32 = arith.constant 0 : i32
    %c0_i32_0 = arith.constant 0 : i32
    %c0_i32_1 = arith.constant 0 : i32
    return %c0_i32, %c0_i32_0 : i32, i32
  }
  func.func @transform_5(%arg0: i32) -> (i32, i32) {
    %c0_i32 = arith.constant 0 : i32
    %c0_i32_0 = arith.constant 0 : i32
    %c0_i32_1 = arith.constant 0 : i32
    return %c0_i32, %c0_i32_0 : i32, i32
  }
  func.func @transform_6(%arg0: i32) -> (i32, i32) {
    %c0_i32 = arith.constant 0 : i32
    %c0_i32_0 = arith.constant 0 : i32
    return %arg0, %c0_i32 : i32, i32
  }
}

module attributes {stable_mosaic.version = 14 : i64} {
  func.func @body(%arg0: i32, %arg1: memref<2000x128xf32, #tpu.memory_space<vmem>>, %arg2: memref<2x128xf32, #tpu.memory_space<vmem>>, %arg3: memref<1x128xf32, #tpu.memory_space<vmem>>, %arg4: memref<1x128xf32, #tpu.memory_space<vmem>>, %arg5: memref<2000x128xf32, #tpu.memory_space<vmem>>) attributes {dimension_semantics = [#tpu.dimension_semantics<arbitrary>], iteration_bounds = array<i64: 5>, scalar_prefetch = 0 : i64, scratch_operands = 0 : i64, tpu.core_type = #tpu.core_type<tc>, window_params = [{transform_indices = @transform_0, window_bounds = array<i64: 2000, 128>}, {pipeline_mode = #tpu.pipeline_mode<synchronous>, transform_indices = @transform_1, window_bounds = array<i64: 2, 128>}, {pipeline_mode = #tpu.pipeline_mode<synchronous>, transform_indices = @transform_2, window_bounds = array<i64: 1, 128>}, {pipeline_mode = #tpu.pipeline_mode<synchronous>, transform_indices = @transform_3, window_bounds = array<i64: 1, 128>}, {transform_indices = @transform_4, window_bounds = array<i64: 2000, 128>}]} {
    %get3A = arith.constant 0 : index
    %get3A_0 = arith.constant 0 : index
    %get3A_1 = vector.load %arg2[%get3A, %get3A_0] : memref<2x128xf32, #tpu.memory_space<vmem>>, vector<1x128xf32>
    %get3A_2 = arith.constant 1 : index
    %get3A_3 = arith.constant 0 : index
    %get3A_4 = vector.load %arg2[%get3A_2, %get3A_3] : memref<2x128xf32, #tpu.memory_space<vmem>>, vector<1x128xf32>
    %mul3A = arith.constant 9.99999974E-5 : f32
    %mul3A_5 = vector.broadcast %mul3A : f32 to vector<1x128xf32>
    %mul3A_6 = arith.mulf %get3A_1, %mul3A_5 : vector<1x128xf32>
    %mul3A_7 = arith.constant 9.99999974E-5 : f32
    %mul3A_8 = vector.broadcast %mul3A_7 : f32 to vector<1x128xf32>
    %mul3A_9 = arith.mulf %get3A_4, %mul3A_8 : vector<1x128xf32>
    %mul3A_10 = arith.mulf %mul3A_6, %mul3A_6 : vector<1x128xf32>
    %sub3A = arith.subf %mul3A_9, %mul3A_10 : vector<1x128xf32>
    %get3A_11 = arith.constant 0 : index
    %get3A_12 = arith.constant 0 : index
    %get3A_13 = vector.load %arg3[%get3A_11, %get3A_12] : memref<1x128xf32, #tpu.memory_space<vmem>>, vector<1x128xf32>
    %add3A = arith.constant 9.99999974E-6 : f32
    %add3A_14 = vector.broadcast %add3A : f32 to vector<1x128xf32>
    %add3A_15 = arith.addf %sub3A, %add3A_14 : vector<1x128xf32>
    %rsqrt3A = math.rsqrt %add3A_15 : vector<1x128xf32>
    %mul3A_16 = arith.mulf %get3A_13, %rsqrt3A : vector<1x128xf32>
    %get3A_17 = arith.constant 0 : index
    %get3A_18 = arith.constant 0 : index
    %get3A_19 = vector.load %arg4[%get3A_17, %get3A_18] : memref<1x128xf32, #tpu.memory_space<vmem>>, vector<1x128xf32>
    %mul3A_20 = arith.mulf %mul3A_6, %mul3A_16 : vector<1x128xf32>
    %sub3A_21 = arith.subf %get3A_19, %mul3A_20 : vector<1x128xf32>
    %get3A_22 = arith.constant 0 : index
    %get3A_23 = arith.constant 0 : index
    %get3A_24 = vector.load %arg1[%get3A_22, %get3A_23] : memref<2000x128xf32, #tpu.memory_space<vmem>>, vector<2000x128xf32>
    %mul3A_25 = vector.broadcast %mul3A_16 : vector<1x128xf32> to vector<2000x128xf32>
    %mul3A_26 = arith.mulf %get3A_24, %mul3A_25 : vector<2000x128xf32>
    %add3A_27 = vector.broadcast %sub3A_21 : vector<1x128xf32> to vector<2000x128xf32>
    %add3A_28 = arith.addf %mul3A_26, %add3A_27 : vector<2000x128xf32>
    %swap3A = arith.constant 0 : index
    %swap3A_29 = arith.constant 0 : index
    %swap3A_30 = vector.load %arg5[%swap3A, %swap3A_29] : memref<2000x128xf32, #tpu.memory_space<vmem>>, vector<2000x128xf32>
    tpu.vector_store %arg5[%swap3A, %swap3A_29], %add3A_28 {strides = array<i32>} : memref<2000x128xf32, #tpu.memory_space<vmem>>, vector<2000x128xf32>,
    return
  }
  func.func @transform_0(%arg0: i32) -> (i32, i32) {
    %c0_i32 = arith.constant 0 : i32
    %c0_i32_0 = arith.constant 0 : i32
    return %arg0, %c0_i32 : i32, i32
  }
  func.func @transform_1(%arg0: i32) -> (i32, i32) {
    %c0_i32 = arith.constant 0 : i32
    %c0_i32_0 = arith.constant 0 : i32
    %c0_i32_1 = arith.constant 0 : i32
    return %c0_i32, %c0_i32_0 : i32, i32
  }
  func.func @transform_2(%arg0: i32) -> (i32, i32) {
    %c0_i32 = arith.constant 0 : i32
    %c0_i32_0 = arith.constant 0 : i32
    %c0_i32_1 = arith.constant 0 : i32
    return %c0_i32, %c0_i32_0 : i32, i32
  }
  func.func @transform_3(%arg0: i32) -> (i32, i32) {
    %c0_i32 = arith.constant 0 : i32
    %c0_i32_0 = arith.constant 0 : i32
    %c0_i32_1 = arith.constant 0 : i32
    return %c0_i32, %c0_i32_0 : i32, i32
  }
  func.func @transform_4(%arg0: i32) -> (i32, i32) {
    %c0_i32 = arith.constant 0 : i32
    %c0_i32_0 = arith.constant 0 : i32
    return %arg0, %c0_i32 : i32, i32
  }
}

</mosaic_0001>

<sc_bundles>
// kernel: kernel.11.cloned.1.call-start
scs
__scs_entry_jumppad:
0x0: {  	(pc) =	sbr.rel $0x88, $3  }
0x1: {  	(tag) =	ssettag $0x0;
	lr =	simm.s32 $0x1  }
0x2: {  	[smem:$0x3F93] =	sst lr;
	_ =	strace $0xD0000000  }
0x3: {  	_ = 	snop  }
0x4: {  	_ = 	snop  }
0x5: {  	_ = 	snop  }
0x6: {  	_ = 	snop  }
0x7: {  	_ = 	snop  }
__scs_overlays_trampoline_lowered:
0x8: {  	[smem:$0x3FA2] =	sst s0  }
0x9: {  	[smem:$0x3FA3] =	sst s1  }
0xa: {  	[smem:$0x3FA4] =	sst s2  }
0xb: {  	[smem:$0x3FA5] =	sst s3  }
0xc: {  	[smem:$0x3FA6] =	sst s4  }
0xd: {  	[smem:$0x3FA7] =	sst s5  }
0xe: {  	[smem:$0x3FA8] =	sst s6  }
0xf: {  	[smem:$0x3FA9] =	sst s7  }
0x10: {  	[smem:$0x3FAA] =	sst s8  }
0x11: {  	[smem:$0x3FAB] =	sst s9;
	s0 =	simm.s32 @!p0 $0x0  }
0x12: {  	s1 =	sld [smem:$0x3F91];
	s0 =	simm.s32 @p0 $0x1  }
0x13: {  	[smem:$0x3FAC] =	sst s0;
	s0 =	simm.s32 @!p1 $0x0  }
0x14: {  	s2 =	sld [smem:$0x3F90];
	s0 =	simm.s32 @p1 $0x1  }
0x15: {  	[smem:$0x3FAD] =	sst s0;
	s0 =	simm.s32 @!p2 $0x0  }
0x16: {  	s3 =	sld [smem:$0x3FDB];
	s0 =	simm.s32 @p2 $0x1  }
0x17: {  	s4 =	simm.s32 $0x1BF5;
	[smem:$0x3FAF] =	sst s0  }
0x18: {  	s0 =	sld [smem:$0x3F92];
	_ =	swait.ge [sflag:s4], $0x0  }
0x19: {  	s7 =	sld [smem:$0x3F93]  }
0x1a: {  	s8 =	sadd.s32 $0xFFFFE003, lr  }
0x1b: {  	s9 =	sadd.s32 $0xFFFFFEF7, lr;
	s5 =	simm.s32 $0xFFFFFFFF;
	p2 =	slt.u32 s8, $0xFFFFF086  }
0x1c: {  	p1 =	slt.u32 s9, $0xF7A;
	s5 =	simm.s32 @!p2 $0x0  }
0x1d: {  	s5 =	simm.s32 @p1 $0x1;
	p0 =	seq.s32 s7, s2  }
0x1e: {  	s7 =	smul.u32 @!p0 $0xF7A, s2;
	p2 =	seq.s32 @!p0 s5, $0x0  }
0x1f: {  	s9 =	smul.u32 $0xF7A, s1;
	s8 =	simm.s32 @!p0 $0x1BF5;
	p2 =	por !p2, p0  }
0x20: {  	[sflag:s8] =	ssyncset.s32 @!p0 $0xFFFFF086;
	s6 =	sadd.s32 @!p0 s3, s7;
	s7 =	simm.s32 @!p0 $0x108  }
0x21: {  	s3 =	sadd.s32 s3, s9;
	s6 =	sadd.s32 @!p0 $0x88, s6;
	s7 =	simm.s32 @p2 $0x1082  }
0x22: {  	[simem:s7], [sflag:s8] =	dma.local @!p0 [hbm:s6], $0xF7A  }
0x23: {  	s9 =	sor.u32 $0xD0000000, s2;
	s6 =	simm.s32 $0x108;
	_ =	swait.ge @!p0 [sflag:s8], $0x0  }
0x24: {  	s3 =	sadd.s32 $0x88, s3;
	s6 =	simm.s32 @!p1 $0x1082;
	[sflag:s4] =	ssyncset.s32 $0xFFFFF086  }
0x25: {  	[simem:s6], [sflag:s4] =	dma.local [hbm:s3], $0xF7A  }
0x26: {  	[smem:$0x3F93] =	sst s1;
	(tag) =	ssettag s2;
	_ =	strace s9  }
0x27: {  	s1 =	sld [smem:$0x3FA3]  }
0x28: {  	s2 =	sld [smem:$0x3FA4]  }
0x29: {  	s4 =	sld [smem:$0x3FA6]  }
0x2a: {  	p0 =	seq.s32 s5, $0x0;
	s5 =	sld [smem:$0x3FA7]  }
0x2b: {  	s6 =	sld [smem:$0x3FA8]  }
0x2c: {  	s7 =	sld [smem:$0x3FA9]  }
0x2d: {  	s3 =	simm.s32 $0x108;
	s8 =	sld [smem:$0x3FAA]  }
0x2e: {  	s3 =	simm.s32 @!p0 $0x1082;
	s9 =	sld [smem:$0x3FAB]  }
0x2f: {  	lr =	sadd.s32 s0, s3;
	s0 =	sld [smem:$0x3FA2]  }
0x30: {  	s3 =	sld [smem:$0x3FA5]  }
0x31: {  	[smem:$0x3FAE] =	sst s10  }
0x32: {  	s10 =	sld [smem:$0x3FAC];
	_ =	sdelay $0x3  }
0x33: {  	p0 =	seq.s32 s10, $0x1;
	s10 =	sld [smem:$0x3FAE];
	_ =	sdelay $0x3  }
0x34: {  	[smem:$0x3FAE] =	sst s10  }
0x35: {  	s10 =	sld [smem:$0x3FAD];
	_ =	sdelay $0x3  }
0x36: {  	p1 =	seq.s32 s10, $0x1;
	s10 =	sld [smem:$0x3FAE];
	_ =	sdelay $0x3  }
0x37: {  	[smem:$0x3FAE] =	sst s10  }
0x38: {  	s10 =	sld [smem:$0x3FAF]  }
0x39: {  	_ = 	snop;
	(pc) =	sbr.ind lr, $3  }
0x3a: {  	_ = 	snop  }
0x3b: {  	_ = 	snop  }
0x3c: {  	p2 =	seq.s32 s10, $0x1;
	s10 =	sld [smem:$0x3FAE]  }
0x3d: {  	_ =	shalt  }
0x3e: {  	_ =	shalt  }
0x3f: {  	_ =	shalt  }
0x40: {  	_ =	shalt  }
0x41: {  	_ =	shalt  }
0x42: {  	_ =	shalt  }
0x43: {  	_ =	shalt  }
0x44: {  	_ =	shalt  }
0x45: {  	_ =	shalt  }
0x46: {  	_ =	shalt  }
0x47: {  	_ =	shalt  }
0x48: {  	_ =	shalt  }
0x49: {  	_ =	shalt  }
0x4a: {  	_ =	shalt  }
0x4b: {  	_ =	shalt  }
0x4c: {  	_ =	shalt  }
0x4d: {  	_ =	shalt  }
0x4e: {  	_ =	shalt  }
0x4f: {  	_ =	shalt  }
0x50: {  	_ =	shalt  }
0x51: {  	_ =	shalt  }
0x52: {  	_ =	shalt  }
0x53: {  	_ =	shalt  }
0x54: {  	_ =	shalt  }
0x55: {  	_ =	shalt  }
0x56: {  	_ =	shalt  }
0x57: {  	_ =	shalt  }
0x58: {  	_ =	shalt  }
0x59: {  	_ =	shalt  }
0x5a: {  	_ =	shalt  }
0x5b: {  	_ =	shalt  }
0x5c: {  	_ =	shalt  }
0x5d: {  	_ =	shalt  }
0x5e: {  	_ =	shalt  }
0x5f: {  	_ =	shalt  }
0x60: {  	_ =	shalt  }
0x61: {  	_ =	shalt  }
0x62: {  	_ =	shalt  }
0x63: {  	_ =	shalt  }
0x64: {  	_ =	shalt  }
0x65: {  	_ =	shalt  }
0x66: {  	_ =	shalt  }
0x67: {  	_ =	shalt  }
0x68: {  	_ =	shalt  }
0x69: {  	_ =	shalt  }
0x6a: {  	_ =	shalt  }
0x6b: {  	_ =	shalt  }
0x6c: {  	_ =	shalt  }
0x6d: {  	_ =	shalt  }
0x6e: {  	_ =	shalt  }
0x6f: {  	_ =	shalt  }
0x70: {  	_ =	shalt  }
0x71: {  	_ =	shalt  }
0x72: {  	_ =	shalt  }
0x73: {  	_ =	shalt  }
0x74: {  	_ =	shalt  }
0x75: {  	_ =	shalt  }
0x76: {  	_ =	shalt  }
0x77: {  	_ =	shalt  }
0x78: {  	_ =	shalt  }
0x79: {  	_ =	shalt  }
0x7a: {  	_ =	shalt  }
0x7b: {  	_ =	shalt  }
0x7c: {  	_ =	shalt  }
0x7d: {  	_ =	shalt  }
0x7e: {  	_ =	shalt  }
0x7f: {  	_ =	shalt  }
0x80: {  	_ =	shalt  }
0x81: {  	_ =	shalt  }
0x82: {  	_ =	shalt  }
0x83: {  	_ =	shalt  }
0x84: {  	_ =	shalt  }
0x85: {  	_ =	shalt  }
0x86: {  	_ =	shalt  }
0x87: {  	_ =	shalt  }
.Lfunc_end0:
.L_simem_size_0:
called_computation_lowered:
.L_overlay_start_0:
0x88: {  	s2 =	sld [smem:$0x3FD9]  }
0x89: {  	s3 =	sld [smem:$0x3FFE];
	_ =	sdelay $0x1  }
0x8a: {  	s1 =	srdreg.scid  }
0x8b: {  	s0 =	sand.u32 $0x1, s1  }
0x8c: {  	s17 =	sshll.u32 s0, $0xA;
	s2 =	sadd.s32 s3, s2  }
0x8d: {  	s2 =	sadd.s32 s2, s17  }
0x8e: {  	[smem:$0x3FBA] =	sst s2  }
0x8f: {  	_ = 	snop  }
0x90: {  	s2 =	sld [smem:$0x3FD0];
	(tm) =	ssettm $0x1  }
0x91: {  	s18 =	sld [smem:$0x3FFB];
	_ =	sdelay $0x3  }
0x92: {  	_ =	strace s18  }
0x93: {  	s3 =	sld [smem:$0x3FFC];
	_ =	sdelay $0x3  }
0x94: {  	_ =	strace s3  }
0x95: {  	s3 =	sld [smem:$0x3FFD];
	_ =	sdelay $0x3  }
0x96: {  	_ =	strace s3  }
0x97: {  	_ =	strace $0x8FFFFFFF  }
0x98: {  	s19 =	sld [smem:$0x3FDB];
	_ =	sdelay $0x1  }
0x99: {  	s4 =	simm.s32 $_scs_section_size  }
0x9a: {  	s5 =	simm.s32 $_size__tile_overlayer_lowered;
	s6 =	simm.s32 $_tile_overlayer_lowered  }
0x9b: {  	s22 =	simm.s32 $0x1BFF;
	s21 =	sshll.u32 s6, $0x1;
	s3 =	sadd.s32 s4, s19  }
0x9c: {  	s7 =	simm.s32 $0x0;
	s20 =	sshll.u32 s5, $0x1;
	s5 =	sadd.s32 s21, s3  }
0x9d: {  	[timem:s7], [sflag:s22] =	dma.local [hbm:s5], s20  }
0x9e: {  	_ =	swait.ge [sflag:s22], s20  }
0x9f: {  	s4 =	ssub.s32 $0x0, s20;
	[sflag:s22] =	ssyncset.done $0x0  }
0xa0: {  	[sflag:s22] =	ssyncadd.s32 s4;
	_ =	sdelay $0x1  }
0xa1: {  	s23 =	simm.s32 $0x1B8B  }
0xa2: {  	_ =	swait.ge [sflag:s23], $0x1  }
0xa3: {  	[sflag:s23] =	ssyncset.done $0x0  }
0xa4: {  	s25 =	simm.s32 $0x1B8E;
	s24 =	sld [smem:$0x3FFE];
	[sflag:s23] =	ssyncadd.s32 $0xFFFFFFFF  }
0xa5: {  	s26 =	simm.s32 $execute0_lowered;
	[smem:$0x3FD2] =	sst s25  }
0xa6: {  	s5 =	sshll.u32 s26, $0x1;
	_ =	strace $0x80000046;
	[dreg:$0x1] =	wrdreg $0xFFFFFFFF  }
0xa7: {  	s28 =	simm.s32 $_size_execute0_lowered;
	s3 =	sadd.s32 s3, s5;
	[dreg:$0x0] =	wrdreg $0x0  }
0xa8: {  	s5 =	sshll.u32 s28, $0x1;
	[dreg:$0x2] =	wrdreg s3  }
0xa9: {  	[dreg:$0x3] =	wrdreg s5  }
0xaa: {  	[dreg:$0x4] =	wrdreg $0xC0  }
0xab: {  	_ =	task [dreg:s7], $0x5FFFF  }
0xac: {  	[dreg:$0x1] =	wrdreg $0xFFFFFFFF  }
0xad: {  	[dreg:$0x0] =	wrdreg $0x60  }
0xae: {  	[dreg:$0x2] =	wrdreg s2  }
0xaf: {  	[dreg:$0x3] =	wrdreg s24  }
0xb0: {  	[dreg:$0x4] =	wrdreg $0x68000  }
0xb1: {  	[dreg:$0x5] =	wrdreg $0x9  }
0xb2: {  	_ =	task.clear_ibuf [dreg:s7], $0x6FFFF;
	_ =	strace $0x90000046  }
0xb3: {  	s29 =	simm.s32 $0x9;
	_ =	strace $0x80000048  }
0xb4: {  	_ =	swait.ge [sflag:s29], $0x1  }
0xb5: {  	[sflag:s29] =	ssyncadd.s32 $0xFFFFFFFF  }
0xb6: {  	_ =	strace $0x90000048  }
0xb7: {  	_ =	sfence  }
0xb8: {  	s30 =	sld [smem:$0x0];
	_ =	sdelay $0x2  }
0xb9: {  	s31 =	sshll.u32 s1, $0xD;
	s1 =	sshrl.u32 s1, $0x2  }
0xba: {  	s3 =	sand.u32 $0x4000, s31;
	s1 =	sadd.s32 s1, s30  }
0xbb: {  	s0 =	sor.u32 s3, s0;
	s1 =	sshll.u32 s1, $0x11  }
0xbc: {  	s0 =	sor.u32 s1, s0  }
0xbd: {  	s0 =	sadd.s32 $0x8F2B, s0  }
0xbe: {  	[sflag:s0] =	ssyncadd.remote.s32 $0x1  }
0xbf: {  	_ =	sfence.sel $0xFFFF  }
0xc0: {  	[dreg:$0x0] =	wrdreg $0xFFFFFFFF;
	(pc) =	sbr.abs _section_cstart, $3  }
0xc1: {  	[dreg:$0x1] =	wrdreg $0xFFFFFFFF  }
0xc2: {  	_ =	task.clear_ibuf [dreg:s7], $0x2FFFF;
	_ =	strace $0x9FFFFFFF  }
0xc3: {  	(tm) =	ssettm $0x7FFFFFFF  }
tec
execute0_lowered:
.L_overlay_start_1:
0x0: {  	(tag) =	ssettag $0x1  }
0x1: {  	s2 =	rddreg [dreg:$0x0]  }
0x2: {  	s0 =	srdreg.scid;
	s6 =	rddreg [dreg:$0x1]  }
0x3: {  	s3 =	rddreg [dreg:$0x2];
	s4 =	simm.s32 $0x0;
	s5 =	sand.u32 $0x1, s0  }
0x4: {  	s15 =	simm.s32 $0x2;
	s0 =	stileid.u32;
	s8 =	smul.u32 $0x27800, s5  }
0x5: {  	s16 =	simm.s32 $0x2780;
	s17 =	simm.s32 $0x80;
	s9 =	smul.u32 $0x2780, s0  }
0x6: {  	s18 =	simm.s32 $0x1;
	s21 =	simm.s32 $0x0;
	s10 =	smul.u32 $0x13C000, s5  }
0x7: {  	[smem:$0x7FF] =	sst s4;
	s1 =	sshll.u32 s5, $0x4;
	s25 =	smul.u32 $0x13C00, s0  }
0x8: {  	s11 =	smul.u32 $0x4F000, s0;
	s28 =	ssub.s32 $0x2, s5;
	s19 =	sshll.u32 s0, $0x6  }
0x9: {  	s1 =	sor.u32 s0, s1;
	s31 =	sshrl.u32 s28, $0x1;
	s19 =	sor.u32 $0x1C02, s19  }
0xa: {  	s7 =	smul.u32 $0x2780, s1;
	s1 =	rddreg [dreg:$0x3];
	_ =	strace $0x80000047  }
0xb: {  	s8 =	sadd.s32 s9, s8;
	s26 =	sadd.s32 s25, s10;
	s29 =	sshrl.u32 s11, $0x2  }
0xc: {  	s14 =	ssub.s32 s28, s31;
	s8 =	sshrl.u32 s8, $0x3;
	s5 =	sadd.s32 s29, s3  }
0xd: {  	s7 =	sshrl.u32 s7, $0x3;
	s13 =	sadd.s32 s8, s6;
	s8 =	sadd.s32 $0xC000, s5  }
0xe: {  	s9 =	sadd.s32 $0x10000, s5;
	s12 =	sadd.s32 s7, s6;
	s7 =	sshrl.u32 s26, $0x3  }
0xf: {  	s20 =	sshrl.u32 s5, $0x3;
	s13 =	sadd.s32 $0x2600, s13;
	s30 =	sadd.s32 s7, s6  }
0x10: {  	s6 =	sadd.s32 $0x4000, s5;
	s7 =	sadd.s32 $0x8000, s5;
	s10 =	sadd.s32 $0xC400, s12  }
0x11: {  	v0 =	vimm.f32 $0.0e+00;
	s12 =	smax.u32 s14, $0x1;
	s14 =	simm.s32 $0x2800;
	s11 =	sadd.s32 $0x16200, s30  }
.LBB2_1:
0x12: {  	s22 =	sand.u32 $0xFE00, s4  }
0x13: {  	s23 =	sand.u32 $0x70, s4;
	s24 =	sshrl.u32 s22, $0x2  }
0x14: {  	s22 =	simm.s32 $0x40;
	s24 =	sor.u32 s23, s24;
	s23 =	simm.s32 $0x0  }
.LBB2_2:
0x15: {  	p0 =	sne.s32 s22, $0xFFC0  }
0x16: {  	[tilespmem:s24+$0x2800] =	vst v0;
	s23 =	sadd.s32 $0x10, s23;
	s24 =	smov.u32 s22;
	s22 =	sadd.s32 $0x40, s22  }
.Ltmp0:
0x17: {  	(pc) =	sbr.rel @p0 .LBB2_2-.Ltmp0, $4  }
0x18: {  	_ = 	snop  }
0x19: {  	s24 =	sand.u32 $0xFE00, s24  }
0x1a: {  	s25 =	sand.u32 $0x70, s23;
	s24 =	sshrl.u32 s24, $0x2  }
0x1b: {  	s24 =	sor.u32 s25, s24  }
0x1c: {  	[tilespmem:s24+$0x2800] =	vst v0  }
0x1d: {  	[spmem:s5] =	stream.linear.scatter [tilespmem:s14], [sflag:$0x2], $0x4000, $0x38;
	[tilespmem:$0x1A400] =	vst v63  }
0x1e: {  	_ =	swait.ge [sflag:s15], $0x4000  }
0x1f: {  	[sflag:s15] =	ssyncset.done $0x0  }
0x20: {  	[sflag:s15] =	ssyncadd.s32 $0xFFFFC000  }
0x21: {  	[spmem:s6] =	stream.linear.scatter [tilespmem:s14], [sflag:$0x2], $0x4000, $0x38;
	[tilespmem:$0x1A400] =	vst v63  }
0x22: {  	_ =	swait.ge [sflag:s15], $0x4000  }
0x23: {  	[sflag:s15] =	ssyncset.done $0x0  }
0x24: {  	[sflag:s15] =	ssyncadd.s32 $0xFFFFC000  }
0x25: {  	[spmem:s7] =	stream.linear.scatter [tilespmem:s14], [sflag:$0x2], $0x4000, $0x38;
	[tilespmem:$0x1A400] =	vst v63  }
0x26: {  	_ =	swait.ge [sflag:s15], $0x4000  }
0x27: {  	[sflag:s15] =	ssyncset.done $0x0  }
0x28: {  	[sflag:s15] =	ssyncadd.s32 $0xFFFFC000  }
0x29: {  	[spmem:s8] =	stream.linear.scatter [tilespmem:s14], [sflag:$0x2], $0x4000, $0x38;
	[tilespmem:$0x1A400] =	vst v63  }
0x2a: {  	_ =	swait.ge [sflag:s15], $0x4000  }
0x2b: {  	[sflag:s15] =	ssyncset.done $0x0  }
0x2c: {  	[sflag:s15] =	ssyncadd.s32 $0xFFFFC000  }
0x2d: {  	[spmem:s9] =	stream.linear.scatter [tilespmem:s14], [sflag:$0x2], $0x3C00, $0x38;
	[tilespmem:$0x1A400] =	vst v63  }
0x2e: {  	_ =	swait.ge [sflag:s15], $0x3C00  }
0x2f: {  	[sflag:s15] =	ssyncset.done $0x0  }
0x30: {  	[sflag:s15] =	ssyncadd.s32 $0xFFFFC400  }
0x31: {  	s22 =	simm.s32 $0x0;
	[bflag:$0x0] =	sbarrier.arrive $0xFFFF  }
0x32: {  	[tilespmem:s22], [sflag:$0x2] =	stream.linear.gather [hbm4b:s10+s22], $0x2780, $0x38;
	[tilespmem:$0x1A400] =	vst v63  }
0x33: {  	_ =	swait.ge [sflag:s15], $0x2780  }
0x34: {  	[sflag:s15] =	ssyncset.done $0x0  }
0x35: {  	s23 =	sadd.s32 $0x0, s13;
	[sflag:s15] =	ssyncadd.s32 $0xFFFFD880  }
0x36: {  	[tilespmem:s16], [sflag:$0x2] =	stream.linear.gather [hbm4b:s23+s4], $0x80, $0x38;
	[tilespmem:$0x1A400] =	vst v63  }
0x37: {  	_ =	swait.ge [sflag:s15], $0x80  }
0x38: {  	[sflag:s15] =	ssyncset.done $0x0  }
0x39: {  	[sflag:s15] =	ssyncadd.s32 $0xFFFFFF80  }
0x3a: {  	[tilespmem:s14], [sflag:$0x1] =	stream.indirect.gather [hbm4b:s2+s17], $0x80, s22, s17, $0xb8;
	[tilespmem:$0x1A400] =	vst v63  }
0x3b: {  	_ =	swait.ge [sflag:s18], $0x4000  }
0x3c: {  	[sflag:s18] =	ssyncset.done $0x0  }
0x3d: {  	[sflag:s18] =	ssyncadd.s32 $0xFFFFC000  }
0x3e: {  	[spmem:s3] =	stream.indirect.scatter.add.f32 [tilespmem:s14], [sflag:$0x2], $0x80, s16, s17, $0xb8;
	[tilespmem:$0x1A400] =	vst v63  }
0x3f: {  	s24 =	simm.s32 $0x20;
	_ =	swait.ge [sflag:s15], $0x4000  }
0x40: {  	s23 =	simm.s32 $0x10;
	s22 =	simm.s32 $0x80;
	[sflag:s15] =	ssyncset.done $0x0  }
.LBB2_4:
0x41: {  	s25 =	sadd.s32 s23, s13  }
0x42: {  	[sflag:s15] =	ssyncadd.s32 $0xFFFFC000;
	s23 =	smov.u32 s24;
	s26 =	sadd.s32 $0x10, s24  }
0x43: {  	[tilespmem:s16], [sflag:$0x2] =	stream.linear.gather [hbm4b:s25+s4], $0x80, $0x38;
	[tilespmem:$0x1A400] =	vst v63  }
0x44: {  	p0 =	sne.s32 s24, $0x4E0;
	_ =	swait.ge [sflag:s15], $0x80  }
0x45: {  	[sflag:s15] =	ssyncset.done $0x0  }
0x46: {  	[sflag:s15] =	ssyncadd.s32 $0xFFFFFF80  }
0x47: {  	[tilespmem:s14], [sflag:$0x1] =	stream.indirect.gather [hbm4b:s2+s17], $0x80, s22, s17, $0xb8;
	[tilespmem:$0x1A400] =	vst v63  }
0x48: {  	_ =	swait.ge [sflag:s18], $0x4000  }
.Ltmp1:
0x49: {  	[sflag:s18] =	ssyncset.done $0x0;
	(pc) =	sbr.rel @p0 .LBB2_4-.Ltmp1, $4  }
0x4a: {  	[sflag:s18] =	ssyncadd.s32 $0xFFFFC000  }
0x4b: {  	[spmem:s3] =	stream.indirect.scatter.add.f32 [tilespmem:s14], [sflag:$0x2], $0x80, s16, s17, $0xb8;
	[tilespmem:$0x1A400] =	vst v63  }
0x4c: {  	_ =	swait.ge [sflag:s15], $0x4000  }
0x4d: {  	s24 =	smov.u32 s26;
	s22 =	sadd.s32 $0x80, s22;
	[sflag:s15] =	ssyncset.done $0x0  }
0x4e: {  	s23 =	sadd.s32 s23, s13;
	[sflag:s15] =	ssyncadd.s32 $0xFFFFC000  }
0x4f: {  	[tilespmem:s16], [sflag:$0x2] =	stream.linear.gather [hbm4b:s23+s4], $0x80, $0x38;
	[tilespmem:$0x1A400] =	vst v63  }
0x50: {  	_ =	swait.ge [sflag:s15], $0x80  }
0x51: {  	[sflag:s15] =	ssyncset.done $0x0  }
0x52: {  	[sflag:s15] =	ssyncadd.s32 $0xFFFFFF80  }
0x53: {  	[tilespmem:s14], [sflag:$0x1] =	stream.indirect.gather [hbm4b:s2+s17], $0x80, s22, s17, $0xb8;
	[tilespmem:$0x1A400] =	vst v63  }
0x54: {  	_ =	swait.ge [sflag:s18], $0x4000  }
0x55: {  	[sflag:s18] =	ssyncset.done $0x0  }
0x56: {  	[sflag:s18] =	ssyncadd.s32 $0xFFFFC000  }
0x57: {  	[spmem:s3] =	stream.indirect.scatter.add.f32 [tilespmem:s14], [sflag:$0x2], $0x80, s16, s17, $0xb8;
	[tilespmem:$0x1A400] =	vst v63  }
0x58: {  	_ =	swait.ge [sflag:s15], $0x4000  }
0x59: {  	s21 =	sadd.s32 $0x1, s21;
	[sflag:s15] =	ssyncset.done $0x0  }
0x5a: {  	p0 =	sne.s32 s21, s12;
	[sflag:s15] =	ssyncadd.s32 $0xFFFFC000  }
.Ltmp2:
0x5b: {  	[bflag:$0x0] =	sbarrier.arrive $0xFFFF;
	(pc) =	sbr.rel @p0 .LBB2_1-.Ltmp2, $4  }
0x5c: {  	[hbm:s11], [sflag:s19] =	dma.local [spmem:s20], $0x2780  }
0x5d: {  	_ =	swait.ge [sflag:s15], $0x2780  }
0x5e: {  	[sflag:s15] =	ssyncset.done $0x0  }
0x5f: {  	[sflag:s15] =	ssyncadd.s32 $0xFFFFD880  }
0x60: {  	_ =	sfence.sel $0x180000  }
0x61: {  	[bflag:$0x0] =	sbarrier.arrive $0xFFFF  }
0x62: {  	p0 =	sne.s32 s0, $0x0;
	_ =	strace $0x90000047  }
0x63: {  	s0 =	sadd.s32 @!p0 $0x100000, s1;
	[bflag:$0x2] =	sbarrier.arrive $0xFFFF  }
0x64: {  	[sflag:s0] =	ssyncadd.tile.s32 @!p0 $0x1;
	_ =	shalt  }
.Lfunc_end2:
_tile_overlayer_lowered:
.L_overlay_start_2:
0x65: {  	(tag) =	ssettag $0x2  }
0x66: {  	s0 =	rddreg [dreg:$0x0];
	s2 =	stileid.u32  }
0x67: {  	s1 =	rddreg [dreg:$0x1];
	p0 =	sne.s32 s2, $0x0  }
0x68: {  	s3 =	rddreg [dreg:$0x2];
	[bflag:$0x3] =	sbarrier.arrive $0xFFFF;
	s2 =	simm.s32 @!p0 $0x1C02  }
0x69: {  	[timem:s3], [sflag:s2] =	dma.local @!p0 [hbm:s0], s1  }
0x6a: {  	s0 =	simm.s32 @!p0 $0x2  }
0x6b: {  	_ =	swait.ge @!p0 [sflag:s0], s1  }
0x6c: {  	s1 =	ssub.s32 @!p0 $0x0, s1;
	[sflag:s0] =	ssyncset.done @!p0 $0x0  }
0x6d: {  	[sflag:s0] =	ssyncadd.s32 @!p0 s1  }
0x6e: {  	[bflag:$0x3] =	sbarrier.arrive $0xFFFF  }
0x6f: {  	_ =	shalt  }

// kernel: kernel.14.cloned.1.call-start
scs
__scs_entry_jumppad:
0x0: {  	(pc) =	sbr.rel $0x88, $3  }
0x1: {  	(tag) =	ssettag $0x0;
	lr =	simm.s32 $0x1  }
0x2: {  	[smem:$0x3F93] =	sst lr;
	_ =	strace $0xD0000000  }
0x3: {  	_ = 	snop  }
0x4: {  	_ = 	snop  }
0x5: {  	_ = 	snop  }
0x6: {  	_ = 	snop  }
0x7: {  	_ = 	snop  }
__scs_overlays_trampoline_lowered:
0x8: {  	[smem:$0x3FA2] =	sst s0  }
0x9: {  	[smem:$0x3FA3] =	sst s1  }
0xa: {  	[smem:$0x3FA4] =	sst s2  }
0xb: {  	[smem:$0x3FA5] =	sst s3  }
0xc: {  	[smem:$0x3FA6] =	sst s4  }
0xd: {  	[smem:$0x3FA7] =	sst s5  }
0xe: {  	[smem:$0x3FA8] =	sst s6  }
0xf: {  	[smem:$0x3FA9] =	sst s7  }
0x10: {  	[smem:$0x3FAA] =	sst s8  }
0x11: {  	[smem:$0x3FAB] =	sst s9;
	s0 =	simm.s32 @!p0 $0x0  }
0x12: {  	s1 =	sld [smem:$0x3F91];
	s0 =	simm.s32 @p0 $0x1  }
0x13: {  	[smem:$0x3FAC] =	sst s0;
	s0 =	simm.s32 @!p1 $0x0  }
0x14: {  	s2 =	sld [smem:$0x3F90];
	s0 =	simm.s32 @p1 $0x1  }
0x15: {  	[smem:$0x3FAD] =	sst s0;
	s0 =	simm.s32 @!p2 $0x0  }
0x16: {  	s3 =	sld [smem:$0x3FDB];
	s0 =	simm.s32 @p2 $0x1  }
0x17: {  	s4 =	simm.s32 $0x1BF5;
	[smem:$0x3FAF] =	sst s0  }
0x18: {  	s0 =	sld [smem:$0x3F92];
	_ =	swait.ge [sflag:s4], $0x0  }
0x19: {  	s7 =	sld [smem:$0x3F93]  }
0x1a: {  	s8 =	sadd.s32 $0xFFFFE003, lr  }
0x1b: {  	s9 =	sadd.s32 $0xFFFFFEF7, lr;
	s5 =	simm.s32 $0xFFFFFFFF;
	p2 =	slt.u32 s8, $0xFFFFF086  }
0x1c: {  	p1 =	slt.u32 s9, $0xF7A;
	s5 =	simm.s32 @!p2 $0x0  }
0x1d: {  	s5 =	simm.s32 @p1 $0x1;
	p0 =	seq.s32 s7, s2  }
0x1e: {  	s7 =	smul.u32 @!p0 $0xF7A, s2;
	p2 =	seq.s32 @!p0 s5, $0x0  }
0x1f: {  	s9 =	smul.u32 $0xF7A, s1;
	s8 =	simm.s32 @!p0 $0x1BF5;
	p2 =	por !p2, p0  }
0x20: {  	[sflag:s8] =	ssyncset.s32 @!p0 $0xFFFFF086;
	s6 =	sadd.s32 @!p0 s3, s7;
	s7 =	simm.s32 @!p0 $0x108  }
0x21: {  	s3 =	sadd.s32 s3, s9;
	s6 =	sadd.s32 @!p0 $0x88, s6;
	s7 =	simm.s32 @p2 $0x1082  }
0x22: {  	[simem:s7], [sflag:s8] =	dma.local @!p0 [hbm:s6], $0xF7A  }
0x23: {  	s9 =	sor.u32 $0xD0000000, s2;
	s6 =	simm.s32 $0x108;
	_ =	swait.ge @!p0 [sflag:s8], $0x0  }
0x24: {  	s3 =	sadd.s32 $0x88, s3;
	s6 =	simm.s32 @!p1 $0x1082;
	[sflag:s4] =	ssyncset.s32 $0xFFFFF086  }
0x25: {  	[simem:s6], [sflag:s4] =	dma.local [hbm:s3], $0xF7A  }
0x26: {  	[smem:$0x3F93] =	sst s1;
	(tag) =	ssettag s2;
	_ =	strace s9  }
0x27: {  	s1 =	sld [smem:$0x3FA3]  }
0x28: {  	s2 =	sld [smem:$0x3FA4]  }
0x29: {  	s4 =	sld [smem:$0x3FA6]  }
0x2a: {  	p0 =	seq.s32 s5, $0x0;
	s5 =	sld [smem:$0x3FA7]  }
0x2b: {  	s6 =	sld [smem:$0x3FA8]  }
0x2c: {  	s7 =	sld [smem:$0x3FA9]  }
0x2d: {  	s3 =	simm.s32 $0x108;
	s8 =	sld [smem:$0x3FAA]  }
0x2e: {  	s3 =	simm.s32 @!p0 $0x1082;
	s9 =	sld [smem:$0x3FAB]  }
0x2f: {  	lr =	sadd.s32 s0, s3;
	s0 =	sld [smem:$0x3FA2]  }
0x30: {  	s3 =	sld [smem:$0x3FA5]  }
0x31: {  	[smem:$0x3FAE] =	sst s10  }
0x32: {  	s10 =	sld [smem:$0x3FAC];
	_ =	sdelay $0x3  }
0x33: {  	p0 =	seq.s32 s10, $0x1;
	s10 =	sld [smem:$0x3FAE];
	_ =	sdelay $0x3  }
0x34: {  	[smem:$0x3FAE] =	sst s10  }
0x35: {  	s10 =	sld [smem:$0x3FAD];
	_ =	sdelay $0x3  }
0x36: {  	p1 =	seq.s32 s10, $0x1;
	s10 =	sld [smem:$0x3FAE];
	_ =	sdelay $0x3  }
0x37: {  	[smem:$0x3FAE] =	sst s10  }
0x38: {  	s10 =	sld [smem:$0x3FAF]  }
0x39: {  	_ = 	snop;
	(pc) =	sbr.ind lr, $3  }
0x3a: {  	_ = 	snop  }
0x3b: {  	_ = 	snop  }
0x3c: {  	p2 =	seq.s32 s10, $0x1;
	s10 =	sld [smem:$0x3FAE]  }
0x3d: {  	_ =	shalt  }
0x3e: {  	_ =	shalt  }
0x3f: {  	_ =	shalt  }
0x40: {  	_ =	shalt  }
0x41: {  	_ =	shalt  }
0x42: {  	_ =	shalt  }
0x43: {  	_ =	shalt  }
0x44: {  	_ =	shalt  }
0x45: {  	_ =	shalt  }
0x46: {  	_ =	shalt  }
0x47: {  	_ =	shalt  }
0x48: {  	_ =	shalt  }
0x49: {  	_ =	shalt  }
0x4a: {  	_ =	shalt  }
0x4b: {  	_ =	shalt  }
0x4c: {  	_ =	shalt  }
0x4d: {  	_ =	shalt  }
0x4e: {  	_ =	shalt  }
0x4f: {  	_ =	shalt  }
0x50: {  	_ =	shalt  }
0x51: {  	_ =	shalt  }
0x52: {  	_ =	shalt  }
0x53: {  	_ =	shalt  }
0x54: {  	_ =	shalt  }
0x55: {  	_ =	shalt  }
0x56: {  	_ =	shalt  }
0x57: {  	_ =	shalt  }
0x58: {  	_ =	shalt  }
0x59: {  	_ =	shalt  }
0x5a: {  	_ =	shalt  }
0x5b: {  	_ =	shalt  }
0x5c: {  	_ =	shalt  }
0x5d: {  	_ =	shalt  }
0x5e: {  	_ =	shalt  }
0x5f: {  	_ =	shalt  }
0x60: {  	_ =	shalt  }
0x61: {  	_ =	shalt  }
0x62: {  	_ =	shalt  }
0x63: {  	_ =	shalt  }
0x64: {  	_ =	shalt  }
0x65: {  	_ =	shalt  }
0x66: {  	_ =	shalt  }
0x67: {  	_ =	shalt  }
0x68: {  	_ =	shalt  }
0x69: {  	_ =	shalt  }
0x6a: {  	_ =	shalt  }
0x6b: {  	_ =	shalt  }
0x6c: {  	_ =	shalt  }
0x6d: {  	_ =	shalt  }
0x6e: {  	_ =	shalt  }
0x6f: {  	_ =	shalt  }
0x70: {  	_ =	shalt  }
0x71: {  	_ =	shalt  }
0x72: {  	_ =	shalt  }
0x73: {  	_ =	shalt  }
0x74: {  	_ =	shalt  }
0x75: {  	_ =	shalt  }
0x76: {  	_ =	shalt  }
0x77: {  	_ =	shalt  }
0x78: {  	_ =	shalt  }
0x79: {  	_ =	shalt  }
0x7a: {  	_ =	shalt  }
0x7b: {  	_ =	shalt  }
0x7c: {  	_ =	shalt  }
0x7d: {  	_ =	shalt  }
0x7e: {  	_ =	shalt  }
0x7f: {  	_ =	shalt  }
0x80: {  	_ =	shalt  }
0x81: {  	_ =	shalt  }
0x82: {  	_ =	shalt  }
0x83: {  	_ =	shalt  }
0x84: {  	_ =	shalt  }
0x85: {  	_ =	shalt  }
0x86: {  	_ =	shalt  }
0x87: {  	_ =	shalt  }
.Lfunc_end0:
.L_simem_size_0:
called_computation.1_lowered:
.L_overlay_start_0:
0x88: {  	s2 =	sld [smem:$0x3FD9]  }
0x89: {  	s3 =	sld [smem:$0x3FFE];
	_ =	sdelay $0x1  }
0x8a: {  	s1 =	srdreg.scid  }
0x8b: {  	s0 =	sand.u32 $0x1, s1  }
0x8c: {  	s17 =	sshll.u32 s0, $0xA;
	s2 =	sadd.s32 s3, s2  }
0x8d: {  	s2 =	sadd.s32 s2, s17  }
0x8e: {  	[smem:$0x3FBA] =	sst s2  }
0x8f: {  	_ = 	snop  }
0x90: {  	s2 =	sld [smem:$0x3FD0];
	(tm) =	ssettm $0x1  }
0x91: {  	s18 =	sld [smem:$0x3FFB];
	_ =	sdelay $0x3  }
0x92: {  	_ =	strace s18  }
0x93: {  	s3 =	sld [smem:$0x3FFC];
	_ =	sdelay $0x3  }
0x94: {  	_ =	strace s3  }
0x95: {  	s3 =	sld [smem:$0x3FFD];
	_ =	sdelay $0x3  }
0x96: {  	_ =	strace s3  }
0x97: {  	_ =	strace $0x8FFFFFFF  }
0x98: {  	s19 =	sld [smem:$0x3FDB];
	_ =	sdelay $0x1  }
0x99: {  	s4 =	simm.s32 $_scs_section_size  }
0x9a: {  	s5 =	simm.s32 $_size__tile_overlayer_lowered;
	s6 =	simm.s32 $_tile_overlayer_lowered  }
0x9b: {  	s22 =	simm.s32 $0x1BFF;
	s21 =	sshll.u32 s6, $0x1;
	s3 =	sadd.s32 s4, s19  }
0x9c: {  	s7 =	simm.s32 $0x0;
	s20 =	sshll.u32 s5, $0x1;
	s5 =	sadd.s32 s21, s3  }
0x9d: {  	[timem:s7], [sflag:s22] =	dma.local [hbm:s5], s20  }
0x9e: {  	_ =	swait.ge [sflag:s22], s20  }
0x9f: {  	s4 =	ssub.s32 $0x0, s20;
	[sflag:s22] =	ssyncset.done $0x0  }
0xa0: {  	[sflag:s22] =	ssyncadd.s32 s4;
	_ =	sdelay $0x1  }
0xa1: {  	s23 =	simm.s32 $0x1B8B  }
0xa2: {  	_ =	swait.ge [sflag:s23], $0x1  }
0xa3: {  	[sflag:s23] =	ssyncset.done $0x0  }
0xa4: {  	s25 =	simm.s32 $0x1B8E;
	s24 =	sld [smem:$0x3FFE];
	[sflag:s23] =	ssyncadd.s32 $0xFFFFFFFF  }
0xa5: {  	s26 =	simm.s32 $execute0_lowered;
	[smem:$0x3FD2] =	sst s25  }
0xa6: {  	s5 =	sshll.u32 s26, $0x1;
	_ =	strace $0x80000049;
	[dreg:$0x1] =	wrdreg $0xFFFFFFFF  }
0xa7: {  	s28 =	simm.s32 $_size_execute0_lowered;
	s3 =	sadd.s32 s3, s5;
	[dreg:$0x0] =	wrdreg $0x0  }
0xa8: {  	s5 =	sshll.u32 s28, $0x1;
	[dreg:$0x2] =	wrdreg s3  }
0xa9: {  	[dreg:$0x3] =	wrdreg s5  }
0xaa: {  	[dreg:$0x4] =	wrdreg $0xC0  }
0xab: {  	_ =	task [dreg:s7], $0x5FFFF  }
0xac: {  	[dreg:$0x1] =	wrdreg $0xFFFFFFFF  }
0xad: {  	[dreg:$0x0] =	wrdreg $0x60  }
0xae: {  	[dreg:$0x2] =	wrdreg s2  }
0xaf: {  	[dreg:$0x3] =	wrdreg s24  }
0xb0: {  	[dreg:$0x4] =	wrdreg $0x68000  }
0xb1: {  	[dreg:$0x5] =	wrdreg $0x9  }
0xb2: {  	_ =	task.clear_ibuf [dreg:s7], $0x6FFFF;
	_ =	strace $0x90000049  }
0xb3: {  	s29 =	simm.s32 $0x9;
	_ =	strace $0x8000004B  }
0xb4: {  	_ =	swait.ge [sflag:s29], $0x1  }
0xb5: {  	[sflag:s29] =	ssyncadd.s32 $0xFFFFFFFF  }
0xb6: {  	_ =	strace $0x9000004B  }
0xb7: {  	_ =	sfence  }
0xb8: {  	s30 =	sld [smem:$0x0];
	_ =	sdelay $0x2  }
0xb9: {  	s31 =	sshll.u32 s1, $0xD;
	s1 =	sshrl.u32 s1, $0x2  }
0xba: {  	s3 =	sand.u32 $0x4000, s31;
	s1 =	sadd.s32 s1, s30  }
0xbb: {  	s0 =	sor.u32 s3, s0;
	s1 =	sshll.u32 s1, $0x11  }
0xbc: {  	s0 =	sor.u32 s1, s0  }
0xbd: {  	s0 =	sadd.s32 $0x8F2B, s0  }
0xbe: {  	[sflag:s0] =	ssyncadd.remote.s32 $0x1  }
0xbf: {  	_ =	sfence.sel $0xFFFF  }
0xc0: {  	[dreg:$0x0] =	wrdreg $0xFFFFFFFF;
	(pc) =	sbr.abs _section_cstart, $3  }
0xc1: {  	[dreg:$0x1] =	wrdreg $0xFFFFFFFF  }
0xc2: {  	_ =	task.clear_ibuf [dreg:s7], $0x2FFFF;
	_ =	strace $0x9FFFFFFF  }
0xc3: {  	(tm) =	ssettm $0x7FFFFFFF  }
tec
execute0_lowered:
.L_overlay_start_1:
0x0: {  	(tag) =	ssettag $0x1  }
0x1: {  	s2 =	rddreg [dreg:$0x0]  }
0x2: {  	s0 =	srdreg.scid;
	s6 =	rddreg [dreg:$0x1]  }
0x3: {  	s3 =	rddreg [dreg:$0x2];
	s4 =	simm.s32 $0x0;
	s5 =	sand.u32 $0x1, s0  }
0x4: {  	s15 =	simm.s32 $0x2;
	s0 =	stileid.u32;
	s8 =	smul.u32 $0x27800, s5  }
0x5: {  	s16 =	simm.s32 $0x2780;
	s17 =	simm.s32 $0x80;
	s9 =	smul.u32 $0x2780, s0  }
0x6: {  	s18 =	simm.s32 $0x1;
	s21 =	simm.s32 $0x0;
	s10 =	smul.u32 $0x13C000, s5  }
0x7: {  	[smem:$0x7FF] =	sst s4;
	s1 =	sshll.u32 s5, $0x4;
	s25 =	smul.u32 $0x13C00, s0  }
0x8: {  	s11 =	smul.u32 $0x4F000, s0;
	s28 =	ssub.s32 $0x2, s5;
	s19 =	sshll.u32 s0, $0x6  }
0x9: {  	s1 =	sor.u32 s0, s1;
	s31 =	sshrl.u32 s28, $0x1;
	s19 =	sor.u32 $0x1C02, s19  }
0xa: {  	s7 =	smul.u32 $0x2780, s1;
	s1 =	rddreg [dreg:$0x3];
	_ =	strace $0x8000004A  }
0xb: {  	s8 =	sadd.s32 s9, s8;
	s26 =	sadd.s32 s25, s10;
	s29 =	sshrl.u32 s11, $0x2  }
0xc: {  	s14 =	ssub.s32 s28, s31;
	s8 =	sshrl.u32 s8, $0x3;
	s5 =	sadd.s32 s29, s3  }
0xd: {  	s7 =	sshrl.u32 s7, $0x3;
	s13 =	sadd.s32 s8, s6;
	s8 =	sadd.s32 $0xC000, s5  }
0xe: {  	s9 =	sadd.s32 $0x10000, s5;
	s12 =	sadd.s32 s7, s6;
	s7 =	sshrl.u32 s26, $0x3  }
0xf: {  	s20 =	sshrl.u32 s5, $0x3;
	s13 =	sadd.s32 $0x2600, s13;
	s30 =	sadd.s32 s7, s6  }
0x10: {  	s6 =	sadd.s32 $0x4000, s5;
	s7 =	sadd.s32 $0x8000, s5;
	s10 =	sadd.s32 $0xC400, s12  }
0x11: {  	v0 =	vimm.f32 $0.0e+00;
	s12 =	smax.u32 s14, $0x1;
	s14 =	simm.s32 $0x2800;
	s11 =	sadd.s32 $0x16200, s30  }
.LBB2_1:
0x12: {  	s22 =	sand.u32 $0xFE00, s4  }
0x13: {  	s23 =	sand.u32 $0x70, s4;
	s24 =	sshrl.u32 s22, $0x2  }
0x14: {  	s22 =	simm.s32 $0x40;
	s24 =	sor.u32 s23, s24;
	s23 =	simm.s32 $0x0  }
.LBB2_2:
0x15: {  	p0 =	sne.s32 s22, $0xFFC0  }
0x16: {  	[tilespmem:s24+$0x2800] =	vst v0;
	s23 =	sadd.s32 $0x10, s23;
	s24 =	smov.u32 s22;
	s22 =	sadd.s32 $0x40, s22  }
.Ltmp0:
0x17: {  	(pc) =	sbr.rel @p0 .LBB2_2-.Ltmp0, $4  }
0x18: {  	_ = 	snop  }
0x19: {  	s24 =	sand.u32 $0xFE00, s24  }
0x1a: {  	s25 =	sand.u32 $0x70, s23;
	s24 =	sshrl.u32 s24, $0x2  }
0x1b: {  	s24 =	sor.u32 s25, s24  }
0x1c: {  	[tilespmem:s24+$0x2800] =	vst v0  }
0x1d: {  	[spmem:s5] =	stream.linear.scatter [tilespmem:s14], [sflag:$0x2], $0x4000, $0x38;
	[tilespmem:$0x1A400] =	vst v63  }
0x1e: {  	_ =	swait.ge [sflag:s15], $0x4000  }
0x1f: {  	[sflag:s15] =	ssyncset.done $0x0  }
0x20: {  	[sflag:s15] =	ssyncadd.s32 $0xFFFFC000  }
0x21: {  	[spmem:s6] =	stream.linear.scatter [tilespmem:s14], [sflag:$0x2], $0x4000, $0x38;
	[tilespmem:$0x1A400] =	vst v63  }
0x22: {  	_ =	swait.ge [sflag:s15], $0x4000  }
0x23: {  	[sflag:s15] =	ssyncset.done $0x0  }
0x24: {  	[sflag:s15] =	ssyncadd.s32 $0xFFFFC000  }
0x25: {  	[spmem:s7] =	stream.linear.scatter [tilespmem:s14], [sflag:$0x2], $0x4000, $0x38;
	[tilespmem:$0x1A400] =	vst v63  }
0x26: {  	_ =	swait.ge [sflag:s15], $0x4000  }
0x27: {  	[sflag:s15] =	ssyncset.done $0x0  }
0x28: {  	[sflag:s15] =	ssyncadd.s32 $0xFFFFC000  }
0x29: {  	[spmem:s8] =	stream.linear.scatter [tilespmem:s14], [sflag:$0x2], $0x4000, $0x38;
	[tilespmem:$0x1A400] =	vst v63  }
0x2a: {  	_ =	swait.ge [sflag:s15], $0x4000  }
0x2b: {  	[sflag:s15] =	ssyncset.done $0x0  }
0x2c: {  	[sflag:s15] =	ssyncadd.s32 $0xFFFFC000  }
0x2d: {  	[spmem:s9] =	stream.linear.scatter [tilespmem:s14], [sflag:$0x2], $0x3C00, $0x38;
	[tilespmem:$0x1A400] =	vst v63  }
0x2e: {  	_ =	swait.ge [sflag:s15], $0x3C00  }
0x2f: {  	[sflag:s15] =	ssyncset.done $0x0  }
0x30: {  	[sflag:s15] =	ssyncadd.s32 $0xFFFFC400  }
0x31: {  	s22 =	simm.s32 $0x0;
	[bflag:$0x0] =	sbarrier.arrive $0xFFFF  }
0x32: {  	[tilespmem:s22], [sflag:$0x2] =	stream.linear.gather [hbm4b:s10+s22], $0x2780, $0x38;
	[tilespmem:$0x1A400] =	vst v63  }
0x33: {  	_ =	swait.ge [sflag:s15], $0x2780  }
0x34: {  	[sflag:s15] =	ssyncset.done $0x0  }
0x35: {  	s23 =	sadd.s32 $0x0, s13;
	[sflag:s15] =	ssyncadd.s32 $0xFFFFD880  }
0x36: {  	[tilespmem:s16], [sflag:$0x2] =	stream.linear.gather [hbm4b:s23+s4], $0x80, $0x38;
	[tilespmem:$0x1A400] =	vst v63  }
0x37: {  	_ =	swait.ge [sflag:s15], $0x80  }
0x38: {  	[sflag:s15] =	ssyncset.done $0x0  }
0x39: {  	[sflag:s15] =	ssyncadd.s32 $0xFFFFFF80  }
0x3a: {  	[tilespmem:s14], [sflag:$0x1] =	stream.indirect.gather [hbm4b:s2+s17], $0x80, s22, s17, $0xb8;
	[tilespmem:$0x1A400] =	vst v63  }
0x3b: {  	_ =	swait.ge [sflag:s18], $0x4000  }
0x3c: {  	[sflag:s18] =	ssyncset.done $0x0  }
0x3d: {  	[sflag:s18] =	ssyncadd.s32 $0xFFFFC000  }
0x3e: {  	[spmem:s3] =	stream.indirect.scatter.add.f32 [tilespmem:s14], [sflag:$0x2], $0x80, s16, s17, $0xb8;
	[tilespmem:$0x1A400] =	vst v63  }
0x3f: {  	s24 =	simm.s32 $0x20;
	_ =	swait.ge [sflag:s15], $0x4000  }
0x40: {  	s23 =	simm.s32 $0x10;
	s22 =	simm.s32 $0x80;
	[sflag:s15] =	ssyncset.done $0x0  }
.LBB2_4:
0x41: {  	s25 =	sadd.s32 s23, s13  }
0x42: {  	[sflag:s15] =	ssyncadd.s32 $0xFFFFC000;
	s23 =	smov.u32 s24;
	s26 =	sadd.s32 $0x10, s24  }
0x43: {  	[tilespmem:s16], [sflag:$0x2] =	stream.linear.gather [hbm4b:s25+s4], $0x80, $0x38;
	[tilespmem:$0x1A400] =	vst v63  }
0x44: {  	p0 =	sne.s32 s24, $0x4E0;
	_ =	swait.ge [sflag:s15], $0x80  }
0x45: {  	[sflag:s15] =	ssyncset.done $0x0  }
0x46: {  	[sflag:s15] =	ssyncadd.s32 $0xFFFFFF80  }
0x47: {  	[tilespmem:s14], [sflag:$0x1] =	stream.indirect.gather [hbm4b:s2+s17], $0x80, s22, s17, $0xb8;
	[tilespmem:$0x1A400] =	vst v63  }
0x48: {  	_ =	swait.ge [sflag:s18], $0x4000  }
.Ltmp1:
0x49: {  	[sflag:s18] =	ssyncset.done $0x0;
	(pc) =	sbr.rel @p0 .LBB2_4-.Ltmp1, $4  }
0x4a: {  	[sflag:s18] =	ssyncadd.s32 $0xFFFFC000  }
0x4b: {  	[spmem:s3] =	stream.indirect.scatter.add.f32 [tilespmem:s14], [sflag:$0x2], $0x80, s16, s17, $0xb8;
	[tilespmem:$0x1A400] =	vst v63  }
0x4c: {  	_ =	swait.ge [sflag:s15], $0x4000  }
0x4d: {  	s24 =	smov.u32 s26;
	s22 =	sadd.s32 $0x80, s22;
	[sflag:s15] =	ssyncset.done $0x0  }
0x4e: {  	s23 =	sadd.s32 s23, s13;
	[sflag:s15] =	ssyncadd.s32 $0xFFFFC000  }
0x4f: {  	[tilespmem:s16], [sflag:$0x2] =	stream.linear.gather [hbm4b:s23+s4], $0x80, $0x38;
	[tilespmem:$0x1A400] =	vst v63  }
0x50: {  	_ =	swait.ge [sflag:s15], $0x80  }
0x51: {  	[sflag:s15] =	ssyncset.done $0x0  }
0x52: {  	[sflag:s15] =	ssyncadd.s32 $0xFFFFFF80  }
0x53: {  	[tilespmem:s14], [sflag:$0x1] =	stream.indirect.gather [hbm4b:s2+s17], $0x80, s22, s17, $0xb8;
	[tilespmem:$0x1A400] =	vst v63  }
0x54: {  	_ =	swait.ge [sflag:s18], $0x4000  }
0x55: {  	[sflag:s18] =	ssyncset.done $0x0  }
0x56: {  	[sflag:s18] =	ssyncadd.s32 $0xFFFFC000  }
0x57: {  	[spmem:s3] =	stream.indirect.scatter.add.f32 [tilespmem:s14], [sflag:$0x2], $0x80, s16, s17, $0xb8;
	[tilespmem:$0x1A400] =	vst v63  }
0x58: {  	_ =	swait.ge [sflag:s15], $0x4000  }
0x59: {  	s21 =	sadd.s32 $0x1, s21;
	[sflag:s15] =	ssyncset.done $0x0  }
0x5a: {  	p0 =	sne.s32 s21, s12;
	[sflag:s15] =	ssyncadd.s32 $0xFFFFC000  }
.Ltmp2:
0x5b: {  	[bflag:$0x0] =	sbarrier.arrive $0xFFFF;
	(pc) =	sbr.rel @p0 .LBB2_1-.Ltmp2, $4  }
0x5c: {  	[hbm:s11], [sflag:s19] =	dma.local [spmem:s20], $0x2780  }
0x5d: {  	_ =	swait.ge [sflag:s15], $0x2780  }
0x5e: {  	[sflag:s15] =	ssyncset.done $0x0  }
0x5f: {  	[sflag:s15] =	ssyncadd.s32 $0xFFFFD880  }
0x60: {  	_ =	sfence.sel $0x180000  }
0x61: {  	[bflag:$0x0] =	sbarrier.arrive $0xFFFF  }
0x62: {  	p0 =	sne.s32 s0, $0x0;
	_ =	strace $0x9000004A  }
0x63: {  	s0 =	sadd.s32 @!p0 $0x100000, s1;
	[bflag:$0x2] =	sbarrier.arrive $0xFFFF  }
0x64: {  	[sflag:s0] =	ssyncadd.tile.s32 @!p0 $0x1;
	_ =	shalt  }
.Lfunc_end2:
_tile_overlayer_lowered:
.L_overlay_start_2:
0x65: {  	(tag) =	ssettag $0x2  }
0x66: {  	s0 =	rddreg [dreg:$0x0];
	s2 =	stileid.u32  }
0x67: {  	s1 =	rddreg [dreg:$0x1];
	p0 =	sne.s32 s2, $0x0  }
0x68: {  	s3 =	rddreg [dreg:$0x2];
	[bflag:$0x3] =	sbarrier.arrive $0xFFFF;
	s2 =	simm.s32 @!p0 $0x1C02  }
0x69: {  	[timem:s3], [sflag:s2] =	dma.local @!p0 [hbm:s0], s1  }
0x6a: {  	s0 =	simm.s32 @!p0 $0x2  }
0x6b: {  	_ =	swait.ge @!p0 [sflag:s0], s1  }
0x6c: {  	s1 =	ssub.s32 @!p0 $0x0, s1;
	[sflag:s0] =	ssyncset.done @!p0 $0x0  }
0x6d: {  	[sflag:s0] =	ssyncadd.s32 @!p0 s1  }
0x6e: {  	[bflag:$0x3] =	sbarrier.arrive $0xFFFF  }
0x6f: {  	_ =	shalt  }

</sc_bundles>
